<compile_context>
chip_gen: v7x
topology: tpu7x:2x2x1
jax: 0.10.2.dev20260603
libtpu: 0.0.44.dev20260713+nightly
codegen_flags: <defaults>
</compile_context>

<pallas_src>
import functools

import jax
import jax.numpy as jnp
from jax import lax
from jax.experimental import pallas as pl
from jax.experimental.pallas import tpu as pltpu
from jax.experimental.pallas import tpu_sc as plsc

H = 768
NH = 12
HD = 64
NE = 8
L = 2048
BLK = 128
NBLKS = L // BLK + NE
P = NBLKS * BLK


def _shift_down(a, k):
    return jnp.concatenate(
        [jnp.zeros((k, a.shape[1]), a.dtype), a[:-k]], axis=0)


def _shift_right(a, k):
    return jnp.concatenate(
        [jnp.zeros((a.shape[0], k), a.dtype), a[:, :-k]], axis=1)


def _route_body(y_ref, g_ref, b_ref, rw_ref, rb_ref,
                x1_ref, pos_ref, gid_ref, val_ref):
    y = y_ref[...]
    mu = jnp.mean(y, axis=1, keepdims=True)
    var = jnp.mean((y - mu) ** 2, axis=1, keepdims=True)
    x1 = (y - mu) / jnp.sqrt(var + 1e-5) * g_ref[...] + b_ref[...]
    x1_ref[...] = x1

    logits = (
        jnp.dot(x1, rw_ref[...], preferred_element_type=jnp.float32)
        + rb_ref[...]
    )
    lanes = lax.broadcasted_iota(jnp.int32, (L, 128), 1)
    mx1 = jnp.max(logits, axis=1, keepdims=True)
    i1 = jnp.min(jnp.where(logits == mx1, lanes, 127), axis=1, keepdims=True)
    l2 = jnp.where(lanes == i1, -jnp.inf, logits)
    mx2 = jnp.max(l2, axis=1, keepdims=True)
    i2 = jnp.min(jnp.where(l2 == mx2, lanes, 127), axis=1, keepdims=True)
    e = jnp.maximum(i1, i2)

    oh = (lanes == e).astype(jnp.int32)
    cs = oh
    k = 1
    while k < L:
        cs = cs + _shift_down(cs, k)
        k *= 2
    counts = cs[L - 1:L, :]
    nblk = (counts + (BLK - 1)) // BLK
    cnb = nblk
    k = 1
    while k < 128:
        cnb = cnb + _shift_right(cnb, k)
        k *= 2
    padoff = (cnb - nblk) * BLK
    pos = jnp.sum(oh * (padoff + cs - oh), axis=1, keepdims=True)
    pos_ref[...] = pos

    biota = lax.broadcasted_iota(jnp.int32, (1, 128), 1)
    gid = jnp.zeros((1, 128), jnp.int32)
    for ei in range(NE):
        gid = gid + (biota >= cnb[0:1, ei:ei + 1]).astype(jnp.int32)
    gid_ref[...] = jnp.minimum(gid, NE - 1)
    val_ref[...] = (biota < cnb[0:1, NE - 1:NE]).astype(jnp.int32)


def _route(y, g, b, rw_pad, rb_pad):
    return pl.pallas_call(
        _route_body,
        grid=(1,),
        in_specs=[
            pl.BlockSpec((L, H), lambda i: (0, 0)),
            pl.BlockSpec((1, H), lambda i: (0, 0)),
            pl.BlockSpec((1, H), lambda i: (0, 0)),
            pl.BlockSpec((H, 128), lambda i: (0, 0)),
            pl.BlockSpec((1, 128), lambda i: (0, 0)),
        ],
        out_specs=[
            pl.BlockSpec((L, H), lambda i: (0, 0)),
            pl.BlockSpec((L, 1), lambda i: (0, 0)),
            pl.BlockSpec((1, 128), lambda i: (0, 0)),
            pl.BlockSpec((1, 128), lambda i: (0, 0)),
        ],
        out_shape=[
            jax.ShapeDtypeStruct((L, H), jnp.float32),
            jax.ShapeDtypeStruct((L, 1), jnp.int32),
            jax.ShapeDtypeStruct((1, 128), jnp.int32),
            jax.ShapeDtypeStruct((1, 128), jnp.int32),
        ],
    )(y, g, b, rw_pad, rb_pad)


_SC_NC = 2
_SC_NS = 16
_NW = _SC_NC * _SC_NS
_TPW = L // _NW


@functools.cache
def _sc_kernels():
    mesh = plsc.VectorSubcoreMesh(core_axis_name="c", subcore_axis_name="s")

    def wid():
        return lax.axis_index("s") * _SC_NC + lax.axis_index("c")

    scratch = [
        pltpu.VMEM((_TPW,), jnp.int32),
        pltpu.VMEM((_TPW, H), jnp.float32),
        pltpu.SemaphoreType.DMA,
    ]

    @functools.partial(
        pl.kernel,
        out_type=jax.ShapeDtypeStruct((P, H), jnp.float32),
        mesh=mesh, scratch_types=scratch)
    def scatter_k(x1_hbm, pos_hbm, xs_hbm, idx_v, rows_v, sem):
        base = wid() * _TPW
        pltpu.sync_copy(pos_hbm.at[pl.ds(base, _TPW)], idx_v)
        pltpu.sync_copy(x1_hbm.at[pl.ds(base, _TPW)], rows_v)
        pltpu.async_copy(rows_v, xs_hbm.at[idx_v], sem).wait()

    @functools.partial(
        pl.kernel,
        out_type=jax.ShapeDtypeStruct((L, H), jnp.float32),
        mesh=mesh, scratch_types=scratch)
    def gather_k(outs_hbm, pos_hbm, out_hbm, idx_v, rows_v, sem):
        base = wid() * _TPW
        pltpu.sync_copy(pos_hbm.at[pl.ds(base, _TPW)], idx_v)
        pltpu.async_copy(outs_hbm.at[idx_v], rows_v, sem).wait()
        pltpu.sync_copy(rows_v, out_hbm.at[pl.ds(base, _TPW)])

    return scatter_k, gather_k


def _dispatch_scatter(x1, pos):
    return _sc_kernels()[0](x1, pos)


def _return_gather(outs, pos):
    return _sc_kernels()[1](outs, pos)


def _ffn_body(gid_ref, val_ref, xs_ref, w1_ref, b1_ref, w2_ref, b2_ref,
              g_ref, b_ref, o_ref):
    bidx = pl.program_id(0)

    @pl.when(val_ref[bidx] == 1)
    def _():
        xb = xs_ref[...]
        h1 = lax.dot_general(xb, w1_ref[0], (((1,), (1,)), ((), ())),
                             preferred_element_type=jnp.float32) + b1_ref[0]
        h1 = 0.5 * h1 * (1.0 + lax.erf(h1 * 0.7071067811865476))
        h2 = lax.dot_general(h1, w2_ref[0], (((1,), (1,)), ((), ())),
                             preferred_element_type=jnp.float32) + b2_ref[0]
        y = xb + h2
        mu = jnp.mean(y, axis=1, keepdims=True)
        var = jnp.mean((y - mu) ** 2, axis=1, keepdims=True)
        o_ref[...] = (y - mu) / jnp.sqrt(var + 1e-5) * g_ref[...] + b_ref[...]


def _ffn(gids, valid, xs, w1, b1, w2, b2, g, b):
    grid_spec = pltpu.PrefetchScalarGridSpec(
        num_scalar_prefetch=2,
        grid=(NBLKS,),
        in_specs=[
            pl.BlockSpec((BLK, H), lambda i, gr, vr: (i, 0)),
            pl.BlockSpec((1, H, H), lambda i, gr, vr: (gr[i], 0, 0)),
            pl.BlockSpec((1, 1, H), lambda i, gr, vr: (gr[i], 0, 0)),
            pl.BlockSpec((1, H, H), lambda i, gr, vr: (gr[i], 0, 0)),
            pl.BlockSpec((1, 1, H), lambda i, gr, vr: (gr[i], 0, 0)),
            pl.BlockSpec((1, H), lambda i, gr, vr: (0, 0)),
            pl.BlockSpec((1, H), lambda i, gr, vr: (0, 0)),
        ],
        out_specs=pl.BlockSpec((BLK, H), lambda i, gr, vr: (i, 0)),
    )
    return pl.pallas_call(
        _ffn_body,
        grid_spec=grid_spec,
        out_shape=jax.ShapeDtypeStruct((P, H), jnp.float32),
    )(gids, valid, xs, w1, b1, w2, b2, g, b)


def kernel(x, in_proj_w, in_proj_b, out_proj_w, out_proj_b, ln1_g, ln1_b,
           router_w, router_b, w1, b1, w2, b2, ln2_g, ln2_b):
    x2 = x[:, 0, :]

    qkv = x2 @ in_proj_w.T + in_proj_b
    q, k, v = jnp.split(qkv, 3, axis=-1)
    rs = lambda t: t.reshape(L, NH, HD).transpose(1, 0, 2)
    q = rs(q) / (HD ** 0.5)
    k = rs(k)
    v = rs(v)
    scores = jnp.einsum('bld,bmd->blm', q, k)
    attn = jax.nn.softmax(scores, axis=-1)
    out = jnp.einsum('blm,bmd->bld', attn, v)
    out = out.transpose(1, 0, 2).reshape(L, H)
    a = out @ out_proj_w.T + out_proj_b
    y = x2 + a

    rw_pad = jnp.zeros((H, 128), jnp.float32).at[:, :NE].set(router_w.T)
    rb_pad = jnp.full((128,), -1e30, jnp.float32).at[:NE].set(
        router_b).reshape(1, 128)
    x1, pos_b, gid_b, val_b = _route(y, ln1_g.reshape(1, H),
                                     ln1_b.reshape(1, H), rw_pad, rb_pad)
    pos = pos_b.reshape(L)
    gids = gid_b[0, :NBLKS]
    valid = val_b[0, :NBLKS]

    xs = _dispatch_scatter(x1, pos)
    outs = _ffn(gids, valid, xs, w1, b1.reshape(NE, 1, H),
                w2, b2.reshape(NE, 1, H),
                ln2_g.reshape(1, H), ln2_b.reshape(1, H))
    out_rows = _return_gather(outs, pos)
    return out_rows.reshape(L, 1, H)

# --- scband reference (transcript-rebuilt; emitter-appended) ---
"""Pipeline reference for scband-standard-mo-elayer-45999099740752 (READ-ONLY COPY).

The authoritative reference and input builder live on the scoring server;
editing this copy changes nothing except your own understanding.
"""

import jax, jax.numpy as jnp
import numpy as np

H = 768
NH = 12
NE = 8
L = 2048
B = 1

def setup_inputs(seed: int = 0):
    key = jax.random.key(seed)
    ks = jax.random.split(key, 8)
    s = 0.02
    return {
        "x": jax.random.normal(ks[0], (L, B, H), dtype=jnp.float32),
        "in_proj_w": jax.random.normal(ks[1], (3 * H, H), dtype=jnp.float32) * s,
        "in_proj_b": jnp.zeros((3 * H,), jnp.float32),
        "out_proj_w": jax.random.normal(ks[2], (H, H), dtype=jnp.float32) * s,
        "out_proj_b": jnp.zeros((H,), jnp.float32),
        "ln1_g": jnp.ones((H,), jnp.float32),
        "ln1_b": jnp.zeros((H,), jnp.float32),
        "router_w": jax.random.normal(ks[3], (NE, H), dtype=jnp.float32) * s,
        "router_b": jnp.zeros((NE,), jnp.float32),
        "w1": jax.random.normal(ks[4], (NE, H, H), dtype=jnp.float32) * s,
        "b1": jnp.zeros((NE, H), jnp.float32),
        "w2": jax.random.normal(ks[5], (NE, H, H), dtype=jnp.float32) * s,
        "b2": jnp.zeros((NE, H), jnp.float32),
        "ln2_g": jnp.ones((H,), jnp.float32),
        "ln2_b": jnp.zeros((H,), jnp.float32),
    }

def _layer_norm(x, g, b):
    mu = jnp.mean(x, axis=-1, keepdims=True)
    var = jnp.mean((x - mu) ** 2, axis=-1, keepdims=True)
    return (x - mu) / jnp.sqrt(var + 1e-5) * g + b

def _mha(x, wqkv, bqkv, wo, bo, num_heads):
    L_, N_, E_ = x.shape
    qkv = x @ wqkv.T + bqkv
    q, k, v = jnp.split(qkv, 3, axis=-1)
    hd = E_ // num_heads
    def rs(t):
        return t.reshape(L_, N_ * num_heads, hd).transpose(1, 0, 2)
    q = rs(q) / np.sqrt(hd)
    k = rs(k)
    v = rs(v)
    scores = jnp.einsum('bld,bmd->blm', q, k)
    attn = jax.nn.softmax(scores, axis=-1)
    out = jnp.einsum('blm,bmd->bld', attn, v)
    out = out.transpose(1, 0, 2).reshape(L_, N_, E_)
    return out @ wo.T + bo

def _moe(x, wr, br, w1, b1, w2, b2):
    logits = x @ wr.T + br
    probs = jax.nn.softmax(logits, axis=-1)
    _, topi = jax.lax.top_k(probs, 2)
    output = jnp.zeros_like(x)
    for i in range(wr.shape[0]):
        mask = jnp.any(topi == i, axis=-1)
        h = x @ w1[i].T + b1[i]
        h = jax.nn.gelu(h, approximate=False)
        h = h @ w2[i].T + b2[i]
        output = jnp.where(mask[..., None], h, output)
    return output

def reference(x, in_proj_w, in_proj_b, out_proj_w, out_proj_b, ln1_g, ln1_b, router_w, router_b, w1, b1, w2, b2, ln2_g, ln2_b):
    a = _mha(x, in_proj_w, in_proj_b, out_proj_w, out_proj_b, NH)
    x1 = _layer_norm(x + a, ln1_g, ln1_b)
    m = _moe(x1, router_w, router_b, w1, b1, w2, b2)
    return _layer_norm(x1 + m, ln2_g, ln2_b)

if __name__ == "__main__":
    import jax
    _d = setup_inputs()
    print(jax.jit(kernel)(*tuple(_d.values())))

</pallas_src>

<mosaic_0001>
#map = affine_map<(d0, d1) -> (0, 0)>
#map1 = affine_map<(d0, d1) -> (0)>
module attributes {stable_mosaic.version = 14 : i64} {
  func.func @scatter_k(%arg0: i32, %arg1: i32, %arg2: memref<2048x768xf32, #tpu.memory_space<hbm>>, %arg3: memref<2048xi32, #tpu.memory_space<hbm>>, %arg4: memref<3072x768xf32, #tpu.memory_space<hbm>>, %arg5: memref<64xi32, #tpu.memory_space<vmem>>, %arg6: memref<64x768xf32, #tpu.memory_space<vmem>>, %arg7: memref<!tpu.dma_semaphore, #tpu.memory_space<semaphore_mem>>) attributes {dimension_semantics = [#tpu.dimension_semantics<core_parallel>, #tpu.dimension_semantics<subcore_parallel>], iteration_bounds = array<i64: 2, 16>, scalar_prefetch = 0 : i64, scratch_operands = 3 : i64, tpu.core_type = #tpu.core_type<sc_vector_subcore>, window_params = [{transform_indices = #map}, {transform_indices = #map1}, {transform_indices = #map}]} {
    %mul3A = arith.constant 2 : i32
    %mul3A_0 = arith.muli %arg1, %mul3A : i32
    %add3A = arith.addi %mul3A_0, %arg0 : i32
    %mul3A_1 = arith.constant 64 : i32
    %mul3A_2 = arith.muli %add3A, %mul3A_1 : i32
    "tpu.region"() ({
      %run_scoped3A = tpu.sem_alloc : memref<!tpu.dma_semaphore, #tpu.memory_space<semaphore_mem>>
      %dma_start3A_7 = tpu.memref_slice %arg3[%mul3A_2] : memref<2048xi32, #tpu.memory_space<hbm>> -> memref<64xi32, #tpu.memory_space<hbm>>
      %dma_start3A_8 = tpu.memref_slice %arg3[%mul3A_2] : memref<2048xi32, #tpu.memory_space<hbm>> -> memref<64xi32, #tpu.memory_space<hbm>>
      tpu.enqueue_dma source(%dma_start3A_8 : memref<64xi32, #tpu.memory_space<hbm>>) target(%arg5 : memref<64xi32, #tpu.memory_space<vmem>>) target_semaphore(%run_scoped3A : memref<!tpu.dma_semaphore, #tpu.memory_space<semaphore_mem>>)
      %dma_wait3A_9 = tpu.memref_slice %arg3[%mul3A_2] : memref<2048xi32, #tpu.memory_space<hbm>> -> memref<64xi32, #tpu.memory_space<hbm>>
      %dma_wait3A_10 = tpu.memref_slice %arg3[%mul3A_2] : memref<2048xi32, #tpu.memory_space<hbm>> -> memref<64xi32, #tpu.memory_space<hbm>>
      tpu.wait_dma2 semaphore(%run_scoped3A : memref<!tpu.dma_semaphore, #tpu.memory_space<semaphore_mem>>) src(%dma_wait3A_10 : memref<64xi32, #tpu.memory_space<hbm>>) dst(%arg5 : memref<64xi32, #tpu.memory_space<vmem>>)
      tpu.yield
    }) : () -> ()
    "tpu.region"() ({
      %run_scoped3A = tpu.sem_alloc : memref<!tpu.dma_semaphore, #tpu.memory_space<semaphore_mem>>
      %dma_start3A_7 = arith.constant 0 : i32
      %dma_start3A_8 = tpu.memref_slice %arg2[%mul3A_2, %dma_start3A_7] : memref<2048x768xf32, #tpu.memory_space<hbm>> -> memref<64x768xf32, #tpu.memory_space<hbm>>
      %dma_start3A_9 = arith.constant 0 : i32
      %dma_start3A_10 = tpu.memref_slice %arg2[%mul3A_2, %dma_start3A_9] : memref<2048x768xf32, #tpu.memory_space<hbm>> -> memref<64x768xf32, #tpu.memory_space<hbm>>
      tpu.enqueue_dma source(%dma_start3A_10 : memref<64x768xf32, #tpu.memory_space<hbm>>) target(%arg6 : memref<64x768xf32, #tpu.memory_space<vmem>>) target_semaphore(%run_scoped3A : memref<!tpu.dma_semaphore, #tpu.memory_space<semaphore_mem>>)
      %dma_wait3A_11 = arith.constant 0 : i32
      %dma_wait3A_12 = tpu.memref_slice %arg2[%mul3A_2, %dma_wait3A_11] : memref<2048x768xf32, #tpu.memory_space<hbm>> -> memref<64x768xf32, #tpu.memory_space<hbm>>
      %dma_wait3A_13 = arith.constant 0 : i32
      %dma_wait3A_14 = tpu.memref_slice %arg2[%mul3A_2, %dma_wait3A_13] : memref<2048x768xf32, #tpu.memory_space<hbm>> -> memref<64x768xf32, #tpu.memory_space<hbm>>
      tpu.wait_dma2 semaphore(%run_scoped3A : memref<!tpu.dma_semaphore, #tpu.memory_space<semaphore_mem>>) src(%dma_wait3A_14 : memref<64x768xf32, #tpu.memory_space<hbm>>) dst(%arg6 : memref<64x768xf32, #tpu.memory_space<vmem>>)
      tpu.yield
    }) : () -> ()
    %dma_start3A = arith.constant 0 : i32
    %dma_start3A_3 = arith.constant 0 : i32
    %dma_start3A_4 = tpu.memref_slice %arg4[%dma_start3A, %dma_start3A_3] : memref<3072x768xf32, #tpu.memory_space<hbm>> -> memref<3072x768xf32, #tpu.memory_space<hbm>>
    tpu.enqueue_indirect_dma source(%arg6 : memref<64x768xf32, #tpu.memory_space<vmem>>) target(%dma_start3A_4 : memref<3072x768xf32, #tpu.memory_space<hbm>>) offsets(%arg5 : memref<64xi32, #tpu.memory_space<vmem>>) semaphore(%arg7 : memref<!tpu.dma_semaphore, #tpu.memory_space<semaphore_mem>>)
    %dma_wait3A = arith.constant 0 : i32
    %dma_wait3A_5 = arith.constant 0 : i32
    %dma_wait3A_6 = tpu.memref_slice %arg4[%dma_wait3A, %dma_wait3A_5] : memref<3072x768xf32, #tpu.memory_space<hbm>> -> memref<3072x768xf32, #tpu.memory_space<hbm>>
    tpu.wait_indirect_dma semaphore(%arg7 : memref<!tpu.dma_semaphore, #tpu.memory_space<semaphore_mem>>) src(%arg6 : memref<64x768xf32, #tpu.memory_space<vmem>>) dst(%dma_wait3A_6 : memref<3072x768xf32, #tpu.memory_space<hbm>>)
    return
  }
}

#map = affine_map<(d0, d1) -> (0, 0)>
#map1 = affine_map<(d0, d1) -> (0)>
module attributes {stable_mosaic.version = 14 : i64} {
  func.func @gather_k(%arg0: i32, %arg1: i32, %arg2: memref<3072x768xf32, #tpu.memory_space<hbm>>, %arg3: memref<2048xi32, #tpu.memory_space<hbm>>, %arg4: memref<2048x768xf32, #tpu.memory_space<hbm>>, %arg5: memref<64xi32, #tpu.memory_space<vmem>>, %arg6: memref<64x768xf32, #tpu.memory_space<vmem>>, %arg7: memref<!tpu.dma_semaphore, #tpu.memory_space<semaphore_mem>>) attributes {dimension_semantics = [#tpu.dimension_semantics<core_parallel>, #tpu.dimension_semantics<subcore_parallel>], iteration_bounds = array<i64: 2, 16>, scalar_prefetch = 0 : i64, scratch_operands = 3 : i64, tpu.core_type = #tpu.core_type<sc_vector_subcore>, window_params = [{transform_indices = #map}, {transform_indices = #map1}, {transform_indices = #map}]} {
    %mul3A = arith.constant 2 : i32
    %mul3A_0 = arith.muli %arg1, %mul3A : i32
    %add3A = arith.addi %mul3A_0, %arg0 : i32
    %mul3A_1 = arith.constant 64 : i32
    %mul3A_2 = arith.muli %add3A, %mul3A_1 : i32
    "tpu.region"() ({
      %run_scoped3A = tpu.sem_alloc : memref<!tpu.dma_semaphore, #tpu.memory_space<semaphore_mem>>
      %dma_start3A_7 = tpu.memref_slice %arg3[%mul3A_2] : memref<2048xi32, #tpu.memory_space<hbm>> -> memref<64xi32, #tpu.memory_space<hbm>>
      %dma_start3A_8 = tpu.memref_slice %arg3[%mul3A_2] : memref<2048xi32, #tpu.memory_space<hbm>> -> memref<64xi32, #tpu.memory_space<hbm>>
      tpu.enqueue_dma source(%dma_start3A_8 : memref<64xi32, #tpu.memory_space<hbm>>) target(%arg5 : memref<64xi32, #tpu.memory_space<vmem>>) target_semaphore(%run_scoped3A : memref<!tpu.dma_semaphore, #tpu.memory_space<semaphore_mem>>)
      %dma_wait3A_9 = tpu.memref_slice %arg3[%mul3A_2] : memref<2048xi32, #tpu.memory_space<hbm>> -> memref<64xi32, #tpu.memory_space<hbm>>
      %dma_wait3A_10 = tpu.memref_slice %arg3[%mul3A_2] : memref<2048xi32, #tpu.memory_space<hbm>> -> memref<64xi32, #tpu.memory_space<hbm>>
      tpu.wait_dma2 semaphore(%run_scoped3A : memref<!tpu.dma_semaphore, #tpu.memory_space<semaphore_mem>>) src(%dma_wait3A_10 : memref<64xi32, #tpu.memory_space<hbm>>) dst(%arg5 : memref<64xi32, #tpu.memory_space<vmem>>)
      tpu.yield
    }) : () -> ()
    %dma_start3A = arith.constant 0 : i32
    %dma_start3A_3 = arith.constant 0 : i32
    %dma_start3A_4 = tpu.memref_slice %arg2[%dma_start3A, %dma_start3A_3] : memref<3072x768xf32, #tpu.memory_space<hbm>> -> memref<3072x768xf32, #tpu.memory_space<hbm>>
    tpu.enqueue_indirect_dma source(%dma_start3A_4 : memref<3072x768xf32, #tpu.memory_space<hbm>>) target(%arg6 : memref<64x768xf32, #tpu.memory_space<vmem>>) offsets(%arg5 : memref<64xi32, #tpu.memory_space<vmem>>) semaphore(%arg7 : memref<!tpu.dma_semaphore, #tpu.memory_space<semaphore_mem>>)
    %dma_wait3A = arith.constant 0 : i32
    %dma_wait3A_5 = arith.constant 0 : i32
    %dma_wait3A_6 = tpu.memref_slice %arg2[%dma_wait3A, %dma_wait3A_5] : memref<3072x768xf32, #tpu.memory_space<hbm>> -> memref<3072x768xf32, #tpu.memory_space<hbm>>
    tpu.wait_indirect_dma semaphore(%arg7 : memref<!tpu.dma_semaphore, #tpu.memory_space<semaphore_mem>>) src(%dma_wait3A_6 : memref<3072x768xf32, #tpu.memory_space<hbm>>) dst(%arg6 : memref<64x768xf32, #tpu.memory_space<vmem>>)
    "tpu.region"() ({
      %run_scoped3A = tpu.sem_alloc : memref<!tpu.dma_semaphore, #tpu.memory_space<semaphore_mem>>
      %dma_start3A_7 = arith.constant 0 : i32
      %dma_start3A_8 = tpu.memref_slice %arg4[%mul3A_2, %dma_start3A_7] : memref<2048x768xf32, #tpu.memory_space<hbm>> -> memref<64x768xf32, #tpu.memory_space<hbm>>
      %dma_start3A_9 = arith.constant 0 : i32
      %dma_start3A_10 = tpu.memref_slice %arg4[%mul3A_2, %dma_start3A_9] : memref<2048x768xf32, #tpu.memory_space<hbm>> -> memref<64x768xf32, #tpu.memory_space<hbm>>
      tpu.enqueue_dma source(%arg6 : memref<64x768xf32, #tpu.memory_space<vmem>>) target(%dma_start3A_10 : memref<64x768xf32, #tpu.memory_space<hbm>>) target_semaphore(%run_scoped3A : memref<!tpu.dma_semaphore, #tpu.memory_space<semaphore_mem>>)
      %dma_wait3A_11 = arith.constant 0 : i32
      %dma_wait3A_12 = tpu.memref_slice %arg4[%mul3A_2, %dma_wait3A_11] : memref<2048x768xf32, #tpu.memory_space<hbm>> -> memref<64x768xf32, #tpu.memory_space<hbm>>
      %dma_wait3A_13 = arith.constant 0 : i32
      %dma_wait3A_14 = tpu.memref_slice %arg4[%mul3A_2, %dma_wait3A_13] : memref<2048x768xf32, #tpu.memory_space<hbm>> -> memref<64x768xf32, #tpu.memory_space<hbm>>
      tpu.wait_dma2 semaphore(%run_scoped3A : memref<!tpu.dma_semaphore, #tpu.memory_space<semaphore_mem>>) src(%arg6 : memref<64x768xf32, #tpu.memory_space<vmem>>) dst(%dma_wait3A_14 : memref<64x768xf32, #tpu.memory_space<hbm>>)
      tpu.yield
    }) : () -> ()
    return
  }
}

#map = affine_map<(d0, d1, d2) -> (d0, d1, 0)>
#map1 = affine_map<(d0, d1, d2) -> (d0, d2, 0)>
#map2 = affine_map<(d0, d1, d2) -> (d0, d2)>
#map3 = affine_map<(d0, d1, d2) -> (d1, d2)>
#map4 = affine_map<(d0, d1, d2) -> (d0, d1)>
#map5 = affine_map<(d0, d1, d2) -> (d2, d1)>
module {
  func.func @main(%arg0: i32, %arg1: i32, %arg2: i32, %arg3: memref<1x512x64xf32, #tpu.memory_space<vmem>>, %arg4: memref<1x512x64xf32, #tpu.memory_space<vmem>>, %arg5: memref<1x512x64xf32, #tpu.memory_space<vmem>>, %arg6: memref<1x512x64xf32, #tpu.memory_space<vmem>>, %arg7: memref<1x512x1xf32, #tpu.memory_space<vmem>>, %arg8: memref<1x512x1xf32, #tpu.memory_space<vmem>>) attributes {dimension_semantics = [#tpu.dimension_semantics<parallel>, #tpu.dimension_semantics<parallel>, #tpu.dimension_semantics<arbitrary>], iteration_bounds = array<i64: 12, 4, 4>, scratch_operands = 2 : i64, window_params = [{transform_indices = #map}, {transform_indices = #map1}, {transform_indices = #map1}, {transform_indices = #map}]} {
    %c0 = arith.constant 0 : index
    %c0_i32 = arith.constant 0 : i32
    %0 = arith.cmpi eq, %c0_i32, %arg2 : i32
    scf.if %0 {
      %cst_3 = arith.constant dense<0.000000e+00> : vector<1x512x64xf32>
      vector.store %cst_3, %arg6[%c0, %c0, %c0] : memref<1x512x64xf32, #tpu.memory_space<vmem>>, vector<1x512x64xf32>
      %cst_4 = arith.constant dense<0xFF800000> : vector<1x512x1xf32>
      vector.store %cst_4, %arg7[%c0, %c0, %c0] : memref<1x512x1xf32, #tpu.memory_space<vmem>>, vector<1x512x1xf32>
      %cst_5 = arith.constant dense<0.000000e+00> : vector<1x512x1xf32>
      vector.store %cst_5, %arg8[%c0, %c0, %c0] : memref<1x512x1xf32, #tpu.memory_space<vmem>>, vector<1x512x1xf32>
    }
    %1 = vector.load %arg3[%c0, %c0, %c0] : memref<1x512x64xf32, #tpu.memory_space<vmem>>, vector<1x512x64xf32>
    %2 = vector.shape_cast %1 : vector<1x512x64xf32> to vector<512x64xf32>
    %3 = vector.load %arg4[%c0, %c0, %c0] : memref<1x512x64xf32, #tpu.memory_space<vmem>>, vector<1x512x64xf32>
    %4 = vector.shape_cast %3 : vector<1x512x64xf32> to vector<512x64xf32>
    %cst = arith.constant dense<0.000000e+00> : vector<512x512xf32>
    %5 = vector.contract {indexing_maps = [#map2, #map3, #map4], iterator_types = ["parallel", "parallel", "reduction"], kind = #vector.kind<add>} %2, %4, %cst {precision = #tpu.contract_precision<bf16>} : vector<512x64xf32>, vector<512x64xf32> into vector<512x512xf32>
    %6 = vector.shape_cast %5 : vector<512x512xf32> to vector<1x512x512xf32>
    %cst_0 = arith.constant dense<0xFF800000> : vector<1x512xf32>
    %7 = vector.multi_reduction <maximumf>, %6, %cst_0 [2] : vector<1x512x512xf32> to vector<1x512xf32>
    %8 = vector.shape_cast %7 : vector<1x512xf32> to vector<1x512x1xf32>
    %9 = vector.broadcast %8 : vector<1x512x1xf32> to vector<1x512x512xf32>
    %10 = arith.subf %6, %9 : vector<1x512x512xf32>
    %11 = math.exp %10 : vector<1x512x512xf32>
    %cst_1 = arith.constant dense<0.000000e+00> : vector<1x512xf32>
    %12 = vector.multi_reduction <add>, %11, %cst_1 [2] : vector<1x512x512xf32> to vector<1x512xf32>
    %13 = vector.shape_cast %12 : vector<1x512xf32> to vector<1x512x1xf32>
    %14 = vector.load %arg7[%c0, %c0, %c0] : memref<1x512x1xf32, #tpu.memory_space<vmem>>, vector<1x512x1xf32>
    %15 = arith.maximumf %14, %8 : vector<1x512x1xf32>
    %16 = vector.load %arg8[%c0, %c0, %c0] : memref<1x512x1xf32, #tpu.memory_space<vmem>>, vector<1x512x1xf32>
    %17 = arith.subf %14, %15 : vector<1x512x1xf32>
    %18 = math.exp %17 : vector<1x512x1xf32>
    %19 = arith.mulf %18, %16 : vector<1x512x1xf32>
    %20 = arith.subf %8, %15 : vector<1x512x1xf32>
    %21 = math.exp %20 : vector<1x512x1xf32>
    %22 = arith.mulf %21, %13 : vector<1x512x1xf32>
    %23 = arith.addf %19, %22 : vector<1x512x1xf32>
    %24 = vector.load %arg6[%c0, %c0, %c0] : memref<1x512x64xf32, #tpu.memory_space<vmem>>, vector<1x512x64xf32>
    %25 = arith.subf %14, %15 : vector<1x512x1xf32>
    %26 = math.exp %25 : vector<1x512x1xf32>
    %27 = arith.mulf %26, %16 : vector<1x512x1xf32>
    %28 = arith.divf %27, %23 : vector<1x512x1xf32>
    %29 = vector.broadcast %28 : vector<1x512x1xf32> to vector<1x512x64xf32>
    %30 = arith.mulf %29, %24 : vector<1x512x64xf32>
    %31 = vector.load %arg5[%c0, %c0, %c0] : memref<1x512x64xf32, #tpu.memory_space<vmem>>, vector<1x512x64xf32>
    %32 = vector.shape_cast %31 : vector<1x512x64xf32> to vector<512x64xf32>
    %33 = arith.subf %8, %15 : vector<1x512x1xf32>
    %34 = math.exp %33 : vector<1x512x1xf32>
    %35 = arith.divf %34, %23 : vector<1x512x1xf32>
    %36 = vector.broadcast %35 : vector<1x512x1xf32> to vector<1x512x512xf32>
    %37 = arith.mulf %36, %11 : vector<1x512x512xf32>
    %38 = vector.shape_cast %37 : vector<1x512x512xf32> to vector<512x512xf32>
    %cst_2 = arith.constant dense<0.000000e+00> : vector<512x64xf32>
    %39 = vector.contract {indexing_maps = [#map2, #map5, #map4], iterator_types = ["parallel", "parallel", "reduction"], kind = #vector.kind<add>} %38, %32, %cst_2 {precision = #tpu.contract_precision<bf16>} : vector<512x512xf32>, vector<512x64xf32> into vector<512x64xf32>
    %40 = vector.shape_cast %39 : vector<512x64xf32> to vector<1x512x64xf32>
    %41 = arith.addf %30, %40 : vector<1x512x64xf32>
    %42 = vector.shape_cast %41 : vector<1x512x64xf32> to vector<1x512x64xf32>
    vector.store %42, %arg6[%c0, %c0, %c0] : memref<1x512x64xf32, #tpu.memory_space<vmem>>, vector<1x512x64xf32>
    vector.store %15, %arg7[%c0, %c0, %c0] : memref<1x512x1xf32, #tpu.memory_space<vmem>>, vector<1x512x1xf32>
    vector.store %23, %arg8[%c0, %c0, %c0] : memref<1x512x1xf32, #tpu.memory_space<vmem>>, vector<1x512x1xf32>
    return
  }
}

module attributes {stable_mosaic.version = 14 : i64} {
  func.func @_route_body(%arg0: i32, %arg1: memref<2048x768xf32, #tpu.memory_space<vmem>>, %arg2: memref<1x768xf32, #tpu.memory_space<vmem>>, %arg3: memref<1x768xf32, #tpu.memory_space<vmem>>, %arg4: memref<768x128xf32, #tpu.memory_space<vmem>>, %arg5: memref<1x128xf32, #tpu.memory_space<vmem>>, %arg6: memref<2048x768xf32, #tpu.memory_space<vmem>>, %arg7: memref<2048x1xi32, #tpu.memory_space<vmem>>, %arg8: memref<1x128xi32, #tpu.memory_space<vmem>>, %arg9: memref<1x128xi32, #tpu.memory_space<vmem>>) attributes {dimension_semantics = [#tpu.dimension_semantics<arbitrary>], iteration_bounds = array<i64: 1>, scalar_prefetch = 0 : i64, scratch_operands = 0 : i64, tpu.core_type = #tpu.core_type<tc>, window_params = [{pipeline_mode = #tpu.pipeline_mode<synchronous>, transform_indices = @transform_0, window_bounds = array<i64: 2048, 768>}, {pipeline_mode = #tpu.pipeline_mode<synchronous>, transform_indices = @transform_1, window_bounds = array<i64: 1, 768>}, {pipeline_mode = #tpu.pipeline_mode<synchronous>, transform_indices = @transform_2, window_bounds = array<i64: 1, 768>}, {pipeline_mode = #tpu.pipeline_mode<synchronous>, transform_indices = @transform_3, window_bounds = array<i64: 768, 128>}, {pipeline_mode = #tpu.pipeline_mode<synchronous>, transform_indices = @transform_4, window_bounds = array<i64: 1, 128>}, {pipeline_mode = #tpu.pipeline_mode<synchronous>, transform_indices = @transform_5, window_bounds = array<i64: 2048, 768>}, {pipeline_mode = #tpu.pipeline_mode<synchronous>, transform_indices = @transform_6, window_bounds = array<i64: 2048, 1>}, {pipeline_mode = #tpu.pipeline_mode<synchronous>, transform_indices = @transform_7, window_bounds = array<i64: 1, 128>}, {pipeline_mode = #tpu.pipeline_mode<synchronous>, transform_indices = @transform_8, window_bounds = array<i64: 1, 128>}]} {
    %get3A = arith.constant 0 : index
    %get3A_0 = arith.constant 0 : index
    %get3A_1 = vector.load %arg1[%get3A, %get3A_0] : memref<2048x768xf32, #tpu.memory_space<vmem>>, vector<2048x768xf32>
    %reduce_sum3A = arith.constant dense<0.000000e+00> : vector<2048xf32>
    %reduce_sum3A_2 = vector.multi_reduction <add>, %get3A_1, %reduce_sum3A [1] : vector<2048x768xf32> to vector<2048xf32>
    %broadcast_in_dim3A = vector.shape_cast %reduce_sum3A_2 : vector<2048xf32> to vector<2048x1xf32>
    %div3A = arith.constant 7.680000e+02 : f32
    %div3A_3 = vector.broadcast %div3A : f32 to vector<2048x1xf32>
    %div3A_4 = arith.divf %broadcast_in_dim3A, %div3A_3 : vector<2048x1xf32>
    %sub3A = vector.broadcast %div3A_4 : vector<2048x1xf32> to vector<2048x768xf32>
    %sub3A_5 = arith.subf %get3A_1, %sub3A : vector<2048x768xf32>
    %integer_pow3A = arith.mulf %sub3A_5, %sub3A_5 : vector<2048x768xf32>
    %reduce_sum3A_6 = arith.constant dense<0.000000e+00> : vector<2048xf32>
    %reduce_sum3A_7 = vector.multi_reduction <add>, %integer_pow3A, %reduce_sum3A_6 [1] : vector<2048x768xf32> to vector<2048xf32>
    %broadcast_in_dim3A_8 = vector.shape_cast %reduce_sum3A_7 : vector<2048xf32> to vector<2048x1xf32>
    %div3A_9 = arith.constant 7.680000e+02 : f32
    %div3A_10 = vector.broadcast %div3A_9 : f32 to vector<2048x1xf32>
    %div3A_11 = arith.divf %broadcast_in_dim3A_8, %div3A_10 : vector<2048x1xf32>
    %sub3A_12 = vector.broadcast %div3A_4 : vector<2048x1xf32> to vector<2048x768xf32>
    %sub3A_13 = arith.subf %get3A_1, %sub3A_12 : vector<2048x768xf32>
    %add3A = arith.constant 9.99999974E-6 : f32
    %add3A_14 = vector.broadcast %add3A : f32 to vector<2048x1xf32>
    %add3A_15 = arith.addf %div3A_11, %add3A_14 : vector<2048x1xf32>
    %sqrt3A = math.sqrt %add3A_15 : vector<2048x1xf32>
    %div3A_16 = vector.broadcast %sqrt3A : vector<2048x1xf32> to vector<2048x768xf32>
    %div3A_17 = arith.divf %sub3A_13, %div3A_16 : vector<2048x768xf32>
    %get3A_18 = arith.constant 0 : index
    %get3A_19 = arith.constant 0 : index
    %get3A_20 = vector.load %arg2[%get3A_18, %get3A_19] : memref<1x768xf32, #tpu.memory_space<vmem>>, vector<1x768xf32>
    %mul3A = vector.broadcast %get3A_20 : vector<1x768xf32> to vector<2048x768xf32>
    %mul3A_21 = arith.mulf %div3A_17, %mul3A : vector<2048x768xf32>
    %get3A_22 = arith.constant 0 : index
    %get3A_23 = arith.constant 0 : index
    %get3A_24 = vector.load %arg3[%get3A_22, %get3A_23] : memref<1x768xf32, #tpu.memory_space<vmem>>, vector<1x768xf32>
    %add3A_25 = vector.broadcast %get3A_24 : vector<1x768xf32> to vector<2048x768xf32>
    %add3A_26 = arith.addf %mul3A_21, %add3A_25 : vector<2048x768xf32>
    %swap3A = arith.constant 0 : index
    %swap3A_27 = arith.constant 0 : index
    %swap3A_28 = vector.load %arg6[%swap3A, %swap3A_27] : memref<2048x768xf32, #tpu.memory_space<vmem>>, vector<2048x768xf32>
    tpu.vector_store %arg6[%swap3A, %swap3A_27], %add3A_26 {strides = array<i32>} : memref<2048x768xf32, #tpu.memory_space<vmem>>, vector<2048x768xf32>,
    %get3A_29 = arith.constant 0 : index
    %get3A_30 = arith.constant 0 : index
    %get3A_31 = vector.load %arg4[%get3A_29, %get3A_30] : memref<768x128xf32, #tpu.memory_space<vmem>>, vector<768x128xf32>
    %dot_general3A = arith.constant dense<0.000000e+00> : vector<2048x128xf32>
    %dot_general3A_32 = tpu.matmul %add3A_26, %get3A_31, %dot_general3A {dimension_numbers = #tpu.dot_dimension_numbers<[1], [0], [0], [1], [0, 0, 1, 1], [], []>, transpose_lhs_hint = false} : vector<2048x768xf32>, vector<768x128xf32>, vector<2048x128xf32> -> vector<2048x128xf32>
    %get3A_33 = arith.constant 0 : index
    %get3A_34 = arith.constant 0 : index
    %get3A_35 = vector.load %arg5[%get3A_33, %get3A_34] : memref<1x128xf32, #tpu.memory_space<vmem>>, vector<1x128xf32>
    %add3A_36 = vector.broadcast %get3A_35 : vector<1x128xf32> to vector<2048x128xf32>
    %add3A_37 = arith.addf %dot_general3A_32, %add3A_36 : vector<2048x128xf32>
    %iota3A = tpu.iota {dimensions = array<i32: 1>} : vector<2048x128xi32>
    %reduce_max3A = arith.constant dense<0xFF800000> : vector<2048xf32>
    %reduce_max3A_38 = vector.multi_reduction <maximumf>, %add3A_37, %reduce_max3A [1] : vector<2048x128xf32> to vector<2048xf32>
    %broadcast_in_dim3A_39 = vector.shape_cast %reduce_max3A_38 : vector<2048xf32> to vector<2048x1xf32>
    %eq3A = vector.broadcast %broadcast_in_dim3A_39 : vector<2048x1xf32> to vector<2048x128xf32>
    %eq3A_40 = arith.cmpf oeq, %add3A_37, %eq3A : vector<2048x128xf32>
    %jit3A = arith.constant 127 : i32
    %broadcast_in_dim3A_41 = vector.broadcast %jit3A : i32 to vector<2048x128xi32>
    %select_n3A = arith.select %eq3A_40, %iota3A, %broadcast_in_dim3A_41 : vector<2048x128xi1>, vector<2048x128xi32>
    %reduce_min3A = arith.constant dense<2147483647> : vector<2048xi32>
    %reduce_min3A_42 = vector.multi_reduction <minsi>, %select_n3A, %reduce_min3A [1] : vector<2048x128xi32> to vector<2048xi32>
    %broadcast_in_dim3A_43 = vector.shape_cast %reduce_min3A_42 : vector<2048xi32> to vector<2048x1xi32>
    %eq3A_44 = vector.broadcast %broadcast_in_dim3A_43 : vector<2048x1xi32> to vector<2048x128xi32>
    %eq3A_45 = arith.cmpi eq, %iota3A, %eq3A_44 : vector<2048x128xi32>
    %jit3A_46 = arith.constant 0xFF800000 : f32
    %broadcast_in_dim3A_47 = vector.broadcast %jit3A_46 : f32 to vector<2048x128xf32>
    %select_n3A_48 = arith.select %eq3A_45, %broadcast_in_dim3A_47, %add3A_37 : vector<2048x128xi1>, vector<2048x128xf32>
    %reduce_max3A_49 = arith.constant dense<0xFF800000> : vector<2048xf32>
    %reduce_max3A_50 = vector.multi_reduction <maximumf>, %select_n3A_48, %reduce_max3A_49 [1] : vector<2048x128xf32> to vector<2048xf32>
    %broadcast_in_dim3A_51 = vector.shape_cast %reduce_max3A_50 : vector<2048xf32> to vector<2048x1xf32>
    %eq3A_52 = vector.broadcast %broadcast_in_dim3A_51 : vector<2048x1xf32> to vector<2048x128xf32>
    %eq3A_53 = arith.cmpf oeq, %select_n3A_48, %eq3A_52 : vector<2048x128xf32>
    %jit3A_54 = arith.constant 127 : i32
    %broadcast_in_dim3A_55 = vector.broadcast %jit3A_54 : i32 to vector<2048x128xi32>
    %select_n3A_56 = arith.select %eq3A_53, %iota3A, %broadcast_in_dim3A_55 : vector<2048x128xi1>, vector<2048x128xi32>
    %reduce_min3A_57 = arith.constant dense<2147483647> : vector<2048xi32>
    %reduce_min3A_58 = vector.multi_reduction <minsi>, %select_n3A_56, %reduce_min3A_57 [1] : vector<2048x128xi32> to vector<2048xi32>
    %broadcast_in_dim3A_59 = vector.shape_cast %reduce_min3A_58 : vector<2048xi32> to vector<2048x1xi32>
    %max3A = arith.maxsi %broadcast_in_dim3A_43, %broadcast_in_dim3A_59 : vector<2048x1xi32>
    %eq3A_60 = vector.broadcast %max3A : vector<2048x1xi32> to vector<2048x128xi32>
    %eq3A_61 = arith.cmpi eq, %iota3A, %eq3A_60 : vector<2048x128xi32>
    %convert_element_type3A = arith.extui %eq3A_61 : vector<2048x128xi1> to vector<2048x128xi32>
    %broadcast_in_dim3A_62 = arith.constant 0 : i32
    %broadcast_in_dim3A_63 = vector.broadcast %broadcast_in_dim3A_62 : i32 to vector<1x128xi32>
    %slice3A = vector.extract_strided_slice %convert_element_type3A {offsets = [0, 0], sizes = [2047, 128], strides = [1, 1]} : vector<2048x128xi32> to vector<2047x128xi32>
    %concatenate3A = tpu.concatenate %broadcast_in_dim3A_63, %slice3A in 0 : vector<1x128xi32>, vector<2047x128xi32> -> vector<2048x128xi32>
    %add3A_64 = arith.addi %convert_element_type3A, %concatenate3A : vector<2048x128xi32>
    %broadcast_in_dim3A_65 = arith.constant 0 : i32
    %broadcast_in_dim3A_66 = vector.broadcast %broadcast_in_dim3A_65 : i32 to vector<2x128xi32>
    %slice3A_67 = vector.extract_strided_slice %add3A_64 {offsets = [0, 0], sizes = [2046, 128], strides = [1, 1]} : vector<2048x128xi32> to vector<2046x128xi32>
    %concatenate3A_68 = tpu.concatenate %broadcast_in_dim3A_66, %slice3A_67 in 0 : vector<2x128xi32>, vector<2046x128xi32> -> vector<2048x128xi32>
    %add3A_69 = arith.addi %add3A_64, %concatenate3A_68 : vector<2048x128xi32>
    %broadcast_in_dim3A_70 = arith.constant 0 : i32
    %broadcast_in_dim3A_71 = vector.broadcast %broadcast_in_dim3A_70 : i32 to vector<4x128xi32>
    %slice3A_72 = vector.extract_strided_slice %add3A_69 {offsets = [0, 0], sizes = [2044, 128], strides = [1, 1]} : vector<2048x128xi32> to vector<2044x128xi32>
    %concatenate3A_73 = tpu.concatenate %broadcast_in_dim3A_71, %slice3A_72 in 0 : vector<4x128xi32>, vector<2044x128xi32> -> vector<2048x128xi32>
    %add3A_74 = arith.addi %add3A_69, %concatenate3A_73 : vector<2048x128xi32>
    %broadcast_in_dim3A_75 = arith.constant 0 : i32
    %broadcast_in_dim3A_76 = vector.broadcast %broadcast_in_dim3A_75 : i32 to vector<8x128xi32>
    %slice3A_77 = vector.extract_strided_slice %add3A_74 {offsets = [0, 0], sizes = [2040, 128], strides = [1, 1]} : vector<2048x128xi32> to vector<2040x128xi32>
    %concatenate3A_78 = tpu.concatenate %broadcast_in_dim3A_76, %slice3A_77 in 0 : vector<8x128xi32>, vector<2040x128xi32> -> vector<2048x128xi32>
    %add3A_79 = arith.addi %add3A_74, %concatenate3A_78 : vector<2048x128xi32>
    %broadcast_in_dim3A_80 = arith.constant 0 : i32
    %broadcast_in_dim3A_81 = vector.broadcast %broadcast_in_dim3A_80 : i32 to vector<16x128xi32>
    %slice3A_82 = vector.extract_strided_slice %add3A_79 {offsets = [0, 0], sizes = [2032, 128], strides = [1, 1]} : vector<2048x128xi32> to vector<2032x128xi32>
    %concatenate3A_83 = tpu.concatenate %broadcast_in_dim3A_81, %slice3A_82 in 0 : vector<16x128xi32>, vector<2032x128xi32> -> vector<2048x128xi32>
    %add3A_84 = arith.addi %add3A_79, %concatenate3A_83 : vector<2048x128xi32>
    %broadcast_in_dim3A_85 = arith.constant 0 : i32
    %broadcast_in_dim3A_86 = vector.broadcast %broadcast_in_dim3A_85 : i32 to vector<32x128xi32>
    %slice3A_87 = vector.extract_strided_slice %add3A_84 {offsets = [0, 0], sizes = [2016, 128], strides = [1, 1]} : vector<2048x128xi32> to vector<2016x128xi32>
    %concatenate3A_88 = tpu.concatenate %broadcast_in_dim3A_86, %slice3A_87 in 0 : vector<32x128xi32>, vector<2016x128xi32> -> vector<2048x128xi32>
    %add3A_89 = arith.addi %add3A_84, %concatenate3A_88 : vector<2048x128xi32>
    %broadcast_in_dim3A_90 = arith.constant 0 : i32
    %broadcast_in_dim3A_91 = vector.broadcast %broadcast_in_dim3A_90 : i32 to vector<64x128xi32>
    %slice3A_92 = vector.extract_strided_slice %add3A_89 {offsets = [0, 0], sizes = [1984, 128], strides = [1, 1]} : vector<2048x128xi32> to vector<1984x128xi32>
    %concatenate3A_93 = tpu.concatenate %broadcast_in_dim3A_91, %slice3A_92 in 0 : vector<64x128xi32>, vector<1984x128xi32> -> vector<2048x128xi32>
    %add3A_94 = arith.addi %add3A_89, %concatenate3A_93 : vector<2048x128xi32>
    %broadcast_in_dim3A_95 = arith.constant 0 : i32
    %broadcast_in_dim3A_96 = vector.broadcast %broadcast_in_dim3A_95 : i32 to vector<128x128xi32>
    %slice3A_97 = vector.extract_strided_slice %add3A_94 {offsets = [0, 0], sizes = [1920, 128], strides = [1, 1]} : vector<2048x128xi32> to vector<1920x128xi32>
    %concatenate3A_98 = tpu.concatenate %broadcast_in_dim3A_96, %slice3A_97 in 0 : vector<128x128xi32>, vector<1920x128xi32> -> vector<2048x128xi32>
    %add3A_99 = arith.addi %add3A_94, %concatenate3A_98 : vector<2048x128xi32>
    %broadcast_in_dim3A_100 = arith.constant 0 : i32
    %broadcast_in_dim3A_101 = vector.broadcast %broadcast_in_dim3A_100 : i32 to vector<256x128xi32>
    %slice3A_102 = vector.extract_strided_slice %add3A_99 {offsets = [0, 0], sizes = [1792, 128], strides = [1, 1]} : vector<2048x128xi32> to vector<1792x128xi32>
    %concatenate3A_103 = tpu.concatenate %broadcast_in_dim3A_101, %slice3A_102 in 0 : vector<256x128xi32>, vector<1792x128xi32> -> vector<2048x128xi32>
    %add3A_104 = arith.addi %add3A_99, %concatenate3A_103 : vector<2048x128xi32>
    %broadcast_in_dim3A_105 = arith.constant 0 : i32
    %broadcast_in_dim3A_106 = vector.broadcast %broadcast_in_dim3A_105 : i32 to vector<512x128xi32>
    %slice3A_107 = vector.extract_strided_slice %add3A_104 {offsets = [0, 0], sizes = [1536, 128], strides = [1, 1]} : vector<2048x128xi32> to vector<1536x128xi32>
    %concatenate3A_108 = tpu.concatenate %broadcast_in_dim3A_106, %slice3A_107 in 0 : vector<512x128xi32>, vector<1536x128xi32> -> vector<2048x128xi32>
    %add3A_109 = arith.addi %add3A_104, %concatenate3A_108 : vector<2048x128xi32>
    %broadcast_in_dim3A_110 = arith.constant 0 : i32
    %broadcast_in_dim3A_111 = vector.broadcast %broadcast_in_dim3A_110 : i32 to vector<1024x128xi32>
    %slice3A_112 = vector.extract_strided_slice %add3A_109 {offsets = [0, 0], sizes = [1024, 128], strides = [1, 1]} : vector<2048x128xi32> to vector<1024x128xi32>
    %concatenate3A_113 = tpu.concatenate %broadcast_in_dim3A_111, %slice3A_112 in 0 : vector<1024x128xi32>, vector<1024x128xi32> -> vector<2048x128xi32>
    %add3A_114 = arith.addi %add3A_109, %concatenate3A_113 : vector<2048x128xi32>
    %slice3A_115 = vector.extract_strided_slice %add3A_114 {offsets = [2047, 0], sizes = [1, 128], strides = [1, 1]} : vector<2048x128xi32> to vector<1x128xi32>
    %add3A_116 = arith.constant 127 : i32
    %add3A_117 = vector.broadcast %add3A_116 : i32 to vector<1x128xi32>
    %add3A_118 = arith.addi %slice3A_115, %add3A_117 : vector<1x128xi32>
    %jit3A_119 = arith.constant 128 : i32
    %div3A_120 = vector.broadcast %jit3A_119 : i32 to vector<1x128xi32>
    %div3A_121 = arith.divsi %add3A_118, %div3A_120 : vector<1x128xi32>
    %sign3A = arith.constant 0 : i32
    %sign3A_122 = vector.broadcast %sign3A : i32 to vector<1x128xi32>
    %sign3A_123 = arith.cmpi sgt, %add3A_118, %sign3A_122 : vector<1x128xi32>
    %sign3A_124 = arith.extui %sign3A_123 : vector<1x128xi1> to vector<1x128xi32>
    %sign3A_125 = arith.constant 0 : i32
    %sign3A_126 = vector.broadcast %sign3A_125 : i32 to vector<1x128xi32>
    %sign3A_127 = arith.cmpi slt, %add3A_118, %sign3A_126 : vector<1x128xi32>
    %sign3A_128 = arith.extui %sign3A_127 : vector<1x128xi1> to vector<1x128xi32>
    %sign3A_129 = arith.subi %sign3A_124, %sign3A_128 : vector<1x128xi32>
    %sign3A_130 = arith.constant 0 : i32
    %sign3A_131 = arith.cmpi sgt, %jit3A_119, %sign3A_130 : i32
    %sign3A_132 = arith.extui %sign3A_131 : i1 to i32
    %sign3A_133 = arith.constant 0 : i32
    %sign3A_134 = arith.cmpi slt, %jit3A_119, %sign3A_133 : i32
    %sign3A_135 = arith.extui %sign3A_134 : i1 to i32
    %sign3A_136 = arith.subi %sign3A_132, %sign3A_135 : i32
    %ne3A = vector.broadcast %sign3A_136 : i32 to vector<1x128xi32>
    %ne3A_137 = arith.cmpi ne, %sign3A_129, %ne3A : vector<1x128xi32>
    %rem3A = vector.broadcast %jit3A_119 : i32 to vector<1x128xi32>
    %rem3A_138 = arith.remsi %add3A_118, %rem3A : vector<1x128xi32>
    %ne3A_139 = arith.constant 0 : i32
    %ne3A_140 = vector.broadcast %ne3A_139 : i32 to vector<1x128xi32>
    %ne3A_141 = arith.cmpi ne, %rem3A_138, %ne3A_140 : vector<1x128xi32>
    %and3A = arith.andi %ne3A_137, %ne3A_141 : vector<1x128xi1>
    %sub3A_142 = arith.constant 1 : i32
    %sub3A_143 = vector.broadcast %sub3A_142 : i32 to vector<1x128xi32>
    %sub3A_144 = arith.subi %div3A_121, %sub3A_143 : vector<1x128xi32>
    %select_n3A_145 = arith.select %and3A, %sub3A_144, %div3A_121 : vector<1x128xi1>, vector<1x128xi32>
    %broadcast_in_dim3A_146 = arith.constant 0 : i32
    %broadcast_in_dim3A_147 = vector.broadcast %broadcast_in_dim3A_146 : i32 to vector<1x1xi32>
    %slice3A_148 = vector.extract_strided_slice %select_n3A_145 {offsets = [0, 0], sizes = [1, 127], strides = [1, 1]} : vector<1x128xi32> to vector<1x127xi32>
    %concatenate3A_149 = tpu.concatenate %broadcast_in_dim3A_147, %slice3A_148 in 1 : vector<1x1xi32>, vector<1x127xi32> -> vector<1x128xi32>
    %add3A_150 = arith.addi %select_n3A_145, %concatenate3A_149 : vector<1x128xi32>
    %broadcast_in_dim3A_151 = arith.constant 0 : i32
    %broadcast_in_dim3A_152 = vector.broadcast %broadcast_in_dim3A_151 : i32 to vector<1x2xi32>
    %slice3A_153 = vector.extract_strided_slice %add3A_150 {offsets = [0, 0], sizes = [1, 126], strides = [1, 1]} : vector<1x128xi32> to vector<1x126xi32>
    %concatenate3A_154 = tpu.concatenate %broadcast_in_dim3A_152, %slice3A_153 in 1 : vector<1x2xi32>, vector<1x126xi32> -> vector<1x128xi32>
    %add3A_155 = arith.addi %add3A_150, %concatenate3A_154 : vector<1x128xi32>
    %broadcast_in_dim3A_156 = arith.constant 0 : i32
    %broadcast_in_dim3A_157 = vector.broadcast %broadcast_in_dim3A_156 : i32 to vector<1x4xi32>
    %slice3A_158 = vector.extract_strided_slice %add3A_155 {offsets = [0, 0], sizes = [1, 124], strides = [1, 1]} : vector<1x128xi32> to vector<1x124xi32>
    %concatenate3A_159 = tpu.concatenate %broadcast_in_dim3A_157, %slice3A_158 in 1 : vector<1x4xi32>, vector<1x124xi32> -> vector<1x128xi32>
    %add3A_160 = arith.addi %add3A_155, %concatenate3A_159 : vector<1x128xi32>
    %broadcast_in_dim3A_161 = arith.constant 0 : i32
    %broadcast_in_dim3A_162 = vector.broadcast %broadcast_in_dim3A_161 : i32 to vector<1x8xi32>
    %slice3A_163 = vector.extract_strided_slice %add3A_160 {offsets = [0, 0], sizes = [1, 120], strides = [1, 1]} : vector<1x128xi32> to vector<1x120xi32>
    %concatenate3A_164 = tpu.concatenate %broadcast_in_dim3A_162, %slice3A_163 in 1 : vector<1x8xi32>, vector<1x120xi32> -> vector<1x128xi32>
    %add3A_165 = arith.addi %add3A_160, %concatenate3A_164 : vector<1x128xi32>
    %broadcast_in_dim3A_166 = arith.constant 0 : i32
    %broadcast_in_dim3A_167 = vector.broadcast %broadcast_in_dim3A_166 : i32 to vector<1x16xi32>
    %slice3A_168 = vector.extract_strided_slice %add3A_165 {offsets = [0, 0], sizes = [1, 112], strides = [1, 1]} : vector<1x128xi32> to vector<1x112xi32>
    %concatenate3A_169 = tpu.concatenate %broadcast_in_dim3A_167, %slice3A_168 in 1 : vector<1x16xi32>, vector<1x112xi32> -> vector<1x128xi32>
    %add3A_170 = arith.addi %add3A_165, %concatenate3A_169 : vector<1x128xi32>
    %broadcast_in_dim3A_171 = arith.constant 0 : i32
    %broadcast_in_dim3A_172 = vector.broadcast %broadcast_in_dim3A_171 : i32 to vector<1x32xi32>
    %slice3A_173 = vector.extract_strided_slice %add3A_170 {offsets = [0, 0], sizes = [1, 96], strides = [1, 1]} : vector<1x128xi32> to vector<1x96xi32>
    %concatenate3A_174 = tpu.concatenate %broadcast_in_dim3A_172, %slice3A_173 in 1 : vector<1x32xi32>, vector<1x96xi32> -> vector<1x128xi32>
    %add3A_175 = arith.addi %add3A_170, %concatenate3A_174 : vector<1x128xi32>
    %broadcast_in_dim3A_176 = arith.constant 0 : i32
    %broadcast_in_dim3A_177 = vector.broadcast %broadcast_in_dim3A_176 : i32 to vector<1x64xi32>
    %slice3A_178 = vector.extract_strided_slice %add3A_175 {offsets = [0, 0], sizes = [1, 64], strides = [1, 1]} : vector<1x128xi32> to vector<1x64xi32>
    %concatenate3A_179 = tpu.concatenate %broadcast_in_dim3A_177, %slice3A_178 in 1 : vector<1x64xi32>, vector<1x64xi32> -> vector<1x128xi32>
    %add3A_180 = arith.addi %add3A_175, %concatenate3A_179 : vector<1x128xi32>
    %sub3A_181 = arith.subi %add3A_180, %select_n3A_145 : vector<1x128xi32>
    %mul3A_182 = arith.constant 128 : i32
    %mul3A_183 = vector.broadcast %mul3A_182 : i32 to vector<1x128xi32>
    %mul3A_184 = arith.muli %sub3A_181, %mul3A_183 : vector<1x128xi32>
    %add3A_185 = vector.broadcast %mul3A_184 : vector<1x128xi32> to vector<2048x128xi32>
    %add3A_186 = arith.addi %add3A_185, %add3A_114 : vector<2048x128xi32>
    %sub3A_187 = arith.subi %add3A_186, %convert_element_type3A : vector<2048x128xi32>
    %mul3A_188 = arith.muli %convert_element_type3A, %sub3A_187 : vector<2048x128xi32>
    %reduce_sum3A_189 = arith.constant dense<0> : vector<2048xi32>
    %reduce_sum3A_190 = vector.multi_reduction <add>, %mul3A_188, %reduce_sum3A_189 [1] : vector<2048x128xi32> to vector<2048xi32>
    %broadcast_in_dim3A_191 = vector.shape_cast %reduce_sum3A_190 : vector<2048xi32> to vector<2048x1xi32>
    %swap3A_192 = arith.constant 0 : index
    %swap3A_193 = arith.constant 0 : index
    %swap3A_194 = vector.load %arg7[%swap3A_192, %swap3A_193] : memref<2048x1xi32, #tpu.memory_space<vmem>>, vector<2048x1xi32>
    tpu.vector_store %arg7[%swap3A_192, %swap3A_193], %broadcast_in_dim3A_191 {strides = array<i32>} : memref<2048x1xi32, #tpu.memory_space<vmem>>, vector<2048x1xi32>,
    %iota3A_195 = tpu.iota {dimensions = array<i32: 1>} : vector<1x128xi32>
    %broadcast_in_dim3A_196 = arith.constant 0 : i32
    %broadcast_in_dim3A_197 = vector.broadcast %broadcast_in_dim3A_196 : i32 to vector<1x128xi32>
    %slice3A_198 = vector.extract_strided_slice %add3A_180 {offsets = [0, 0], sizes = [1, 1], strides = [1, 1]} : vector<1x128xi32> to vector<1x1xi32>
    %ge3A = vector.broadcast %slice3A_198 : vector<1x1xi32> to vector<1x128xi32>
    %ge3A_199 = arith.cmpi sge, %iota3A_195, %ge3A : vector<1x128xi32>
    %convert_element_type3A_200 = arith.extui %ge3A_199 : vector<1x128xi1> to vector<1x128xi32>
    %add3A_201 = arith.addi %broadcast_in_dim3A_197, %convert_element_type3A_200 : vector<1x128xi32>
    %slice3A_202 = vector.extract_strided_slice %add3A_180 {offsets = [0, 1], sizes = [1, 1], strides = [1, 1]} : vector<1x128xi32> to vector<1x1xi32>
    %ge3A_203 = vector.broadcast %slice3A_202 : vector<1x1xi32> to vector<1x128xi32>
    %ge3A_204 = arith.cmpi sge, %iota3A_195, %ge3A_203 : vector<1x128xi32>
    %convert_element_type3A_205 = arith.extui %ge3A_204 : vector<1x128xi1> to vector<1x128xi32>
    %add3A_206 = arith.addi %add3A_201, %convert_element_type3A_205 : vector<1x128xi32>
    %slice3A_207 = vector.extract_strided_slice %add3A_180 {offsets = [0, 2], sizes = [1, 1], strides = [1, 1]} : vector<1x128xi32> to vector<1x1xi32>
    %ge3A_208 = vector.broadcast %slice3A_207 : vector<1x1xi32> to vector<1x128xi32>
    %ge3A_209 = arith.cmpi sge, %iota3A_195, %ge3A_208 : vector<1x128xi32>
    %convert_element_type3A_210 = arith.extui %ge3A_209 : vector<1x128xi1> to vector<1x128xi32>
    %add3A_211 = arith.addi %add3A_206, %convert_element_type3A_210 : vector<1x128xi32>
    %slice3A_212 = vector.extract_strided_slice %add3A_180 {offsets = [0, 3], sizes = [1, 1], strides = [1, 1]} : vector<1x128xi32> to vector<1x1xi32>
    %ge3A_213 = vector.broadcast %slice3A_212 : vector<1x1xi32> to vector<1x128xi32>
    %ge3A_214 = arith.cmpi sge, %iota3A_195, %ge3A_213 : vector<1x128xi32>
    %convert_element_type3A_215 = arith.extui %ge3A_214 : vector<1x128xi1> to vector<1x128xi32>
    %add3A_216 = arith.addi %add3A_211, %convert_element_type3A_215 : vector<1x128xi32>
    %slice3A_217 = vector.extract_strided_slice %add3A_180 {offsets = [0, 4], sizes = [1, 1], strides = [1, 1]} : vector<1x128xi32> to vector<1x1xi32>
    %ge3A_218 = vector.broadcast %slice3A_217 : vector<1x1xi32> to vector<1x128xi32>
    %ge3A_219 = arith.cmpi sge, %iota3A_195, %ge3A_218 : vector<1x128xi32>
    %convert_element_type3A_220 = arith.extui %ge3A_219 : vector<1x128xi1> to vector<1x128xi32>
    %add3A_221 = arith.addi %add3A_216, %convert_element_type3A_220 : vector<1x128xi32>
    %slice3A_222 = vector.extract_strided_slice %add3A_180 {offsets = [0, 5], sizes = [1, 1], strides = [1, 1]} : vector<1x128xi32> to vector<1x1xi32>
    %ge3A_223 = vector.broadcast %slice3A_222 : vector<1x1xi32> to vector<1x128xi32>
    %ge3A_224 = arith.cmpi sge, %iota3A_195, %ge3A_223 : vector<1x128xi32>
    %convert_element_type3A_225 = arith.extui %ge3A_224 : vector<1x128xi1> to vector<1x128xi32>
    %add3A_226 = arith.addi %add3A_221, %convert_element_type3A_225 : vector<1x128xi32>
    %slice3A_227 = vector.extract_strided_slice %add3A_180 {offsets = [0, 6], sizes = [1, 1], strides = [1, 1]} : vector<1x128xi32> to vector<1x1xi32>
    %ge3A_228 = vector.broadcast %slice3A_227 : vector<1x1xi32> to vector<1x128xi32>
    %ge3A_229 = arith.cmpi sge, %iota3A_195, %ge3A_228 : vector<1x128xi32>
    %convert_element_type3A_230 = arith.extui %ge3A_229 : vector<1x128xi1> to vector<1x128xi32>
    %add3A_231 = arith.addi %add3A_226, %convert_element_type3A_230 : vector<1x128xi32>
    %slice3A_232 = vector.extract_strided_slice %add3A_180 {offsets = [0, 7], sizes = [1, 1], strides = [1, 1]} : vector<1x128xi32> to vector<1x1xi32>
    %ge3A_233 = vector.broadcast %slice3A_232 : vector<1x1xi32> to vector<1x128xi32>
    %ge3A_234 = arith.cmpi sge, %iota3A_195, %ge3A_233 : vector<1x128xi32>
    %convert_element_type3A_235 = arith.extui %ge3A_234 : vector<1x128xi1> to vector<1x128xi32>
    %add3A_236 = arith.addi %add3A_231, %convert_element_type3A_235 : vector<1x128xi32>
    %min3A = arith.constant 7 : i32
    %min3A_237 = vector.broadcast %min3A : i32 to vector<1x128xi32>
    %min3A_238 = arith.minsi %add3A_236, %min3A_237 : vector<1x128xi32>
    %swap3A_239 = arith.constant 0 : index
    %swap3A_240 = arith.constant 0 : index
    %swap3A_241 = vector.load %arg8[%swap3A_239, %swap3A_240] : memref<1x128xi32, #tpu.memory_space<vmem>>, vector<1x128xi32>
    tpu.vector_store %arg8[%swap3A_239, %swap3A_240], %min3A_238 {strides = array<i32>} : memref<1x128xi32, #tpu.memory_space<vmem>>, vector<1x128xi32>,
    %slice3A_242 = vector.extract_strided_slice %add3A_180 {offsets = [0, 7], sizes = [1, 1], strides = [1, 1]} : vector<1x128xi32> to vector<1x1xi32>
    %lt3A = vector.broadcast %slice3A_242 : vector<1x1xi32> to vector<1x128xi32>
    %lt3A_243 = arith.cmpi slt, %iota3A_195, %lt3A : vector<1x128xi32>
    %convert_element_type3A_244 = arith.extui %lt3A_243 : vector<1x128xi1> to vector<1x128xi32>
    %swap3A_245 = arith.constant 0 : index
    %swap3A_246 = arith.constant 0 : index
    %swap3A_247 = vector.load %arg9[%swap3A_245, %swap3A_246] : memref<1x128xi32, #tpu.memory_space<vmem>>, vector<1x128xi32>
    tpu.vector_store %arg9[%swap3A_245, %swap3A_246], %convert_element_type3A_244 {strides = array<i32>} : memref<1x128xi32, #tpu.memory_space<vmem>>, vector<1x128xi32>,
    return
  }
  func.func @transform_0(%arg0: i32) -> (i32, i32) {
    %c0_i32 = arith.constant 0 : i32
    %c0_i32_0 = arith.constant 0 : i32
    %c0_i32_1 = arith.constant 0 : i32
    return %c0_i32, %c0_i32_0 : i32, i32
  }
  func.func @transform_1(%arg0: i32) -> (i32, i32) {
    %c0_i32 = arith.constant 0 : i32
    %c0_i32_0 = arith.constant 0 : i32
    %c0_i32_1 = arith.constant 0 : i32
    return %c0_i32, %c0_i32_0 : i32, i32
  }
  func.func @transform_2(%arg0: i32) -> (i32, i32) {
    %c0_i32 = arith.constant 0 : i32
    %c0_i32_0 = arith.constant 0 : i32
    %c0_i32_1 = arith.constant 0 : i32
    return %c0_i32, %c0_i32_0 : i32, i32
  }
  func.func @transform_3(%arg0: i32) -> (i32, i32) {
    %c0_i32 = arith.constant 0 : i32
    %c0_i32_0 = arith.constant 0 : i32
    %c0_i32_1 = arith.constant 0 : i32
    return %c0_i32, %c0_i32_0 : i32, i32
  }
  func.func @transform_4(%arg0: i32) -> (i32, i32) {
    %c0_i32 = arith.constant 0 : i32
    %c0_i32_0 = arith.constant 0 : i32
    %c0_i32_1 = arith.constant 0 : i32
    return %c0_i32, %c0_i32_0 : i32, i32
  }
  func.func @transform_5(%arg0: i32) -> (i32, i32) {
    %c0_i32 = arith.constant 0 : i32
    %c0_i32_0 = arith.constant 0 : i32
    %c0_i32_1 = arith.constant 0 : i32
    return %c0_i32, %c0_i32_0 : i32, i32
  }
  func.func @transform_6(%arg0: i32) -> (i32, i32) {
    %c0_i32 = arith.constant 0 : i32
    %c0_i32_0 = arith.constant 0 : i32
    %c0_i32_1 = arith.constant 0 : i32
    return %c0_i32, %c0_i32_0 : i32, i32
  }
  func.func @transform_7(%arg0: i32) -> (i32, i32) {
    %c0_i32 = arith.constant 0 : i32
    %c0_i32_0 = arith.constant 0 : i32
    %c0_i32_1 = arith.constant 0 : i32
    return %c0_i32, %c0_i32_0 : i32, i32
  }
  func.func @transform_8(%arg0: i32) -> (i32, i32) {
    %c0_i32 = arith.constant 0 : i32
    %c0_i32_0 = arith.constant 0 : i32
    %c0_i32_1 = arith.constant 0 : i32
    return %c0_i32, %c0_i32_0 : i32, i32
  }
}

module attributes {stable_mosaic.version = 14 : i64} {
  func.func @_ffn_body(%arg0: i32, %arg1: memref<24xi32, #tpu.memory_space<smem>>, %arg2: memref<24xi32, #tpu.memory_space<smem>>, %arg3: memref<128x768xf32, #tpu.memory_space<vmem>>, %arg4: memref<1x768x768xf32, #tpu.memory_space<vmem>>, %arg5: memref<1x1x768xf32, #tpu.memory_space<vmem>>, %arg6: memref<1x768x768xf32, #tpu.memory_space<vmem>>, %arg7: memref<1x1x768xf32, #tpu.memory_space<vmem>>, %arg8: memref<1x768xf32, #tpu.memory_space<vmem>>, %arg9: memref<1x768xf32, #tpu.memory_space<vmem>>, %arg10: memref<128x768xf32, #tpu.memory_space<vmem>>) attributes {dimension_semantics = [#tpu.dimension_semantics<arbitrary>], iteration_bounds = array<i64: 24>, scalar_prefetch = 2 : i64, scratch_operands = 0 : i64, tpu.core_type = #tpu.core_type<tc>, window_params = [{transform_indices = @transform_0, window_bounds = array<i64: 128, 768>}, {transform_indices = @transform_1, window_bounds = array<i64: 1, 768, 768>}, {transform_indices = @transform_2, window_bounds = array<i64: 1, 1, 768>}, {transform_indices = @transform_3, window_bounds = array<i64: 1, 768, 768>}, {transform_indices = @transform_4, window_bounds = array<i64: 1, 1, 768>}, {pipeline_mode = #tpu.pipeline_mode<synchronous>, transform_indices = @transform_5, window_bounds = array<i64: 1, 768>}, {pipeline_mode = #tpu.pipeline_mode<synchronous>, transform_indices = @transform_6, window_bounds = array<i64: 1, 768>}, {transform_indices = @transform_7, window_bounds = array<i64: 128, 768>}]} {
    %get3A = arith.index_cast %arg0 : i32 to index
    %get3A_0 = memref.load %arg2[%get3A] : memref<24xi32, #tpu.memory_space<smem>>
    %eq3A = arith.constant 1 : i32
    %eq3A_1 = arith.cmpi eq, %get3A_0, %eq3A : i32
    %convert_element_type3A = arith.extui %eq3A_1 : i1 to i32
    %cond3A = arith.constant 0 : i32
    %cond3A_2 = arith.cmpi ne, %convert_element_type3A, %cond3A : i32
    scf.if %cond3A_2 {
      %get3A_3 = arith.constant 0 : index
      %get3A_4 = arith.constant 0 : index
      %get3A_5 = vector.load %arg3[%get3A_3, %get3A_4] : memref<128x768xf32, #tpu.memory_space<vmem>>, vector<128x768xf32>
      %get3A_6 = arith.constant 0 : index
      %get3A_7 = arith.constant 0 : index
      %get3A_8 = arith.constant 0 : index
      %get3A_9 = vector.load %arg4[%get3A_6, %get3A_7, %get3A_8] : memref<1x768x768xf32, #tpu.memory_space<vmem>>, vector<1x768x768xf32>
      %get3A_10 = vector.shape_cast %get3A_9 : vector<1x768x768xf32> to vector<768x768xf32>
      %dot_general3A = arith.constant dense<0.000000e+00> : vector<128x768xf32>
      %dot_general3A_11 = tpu.matmul %get3A_5, %get3A_10, %dot_general3A {dimension_numbers = #tpu.dot_dimension_numbers<[1], [1], [0], [0], [0, 0, 1, 0], [], []>, transpose_lhs_hint = false} : vector<128x768xf32>, vector<768x768xf32>, vector<128x768xf32> -> vector<128x768xf32>
      %get3A_12 = arith.constant 0 : index
      %get3A_13 = arith.constant 0 : index
      %get3A_14 = arith.constant 0 : index
      %get3A_15 = vector.load %arg5[%get3A_12, %get3A_13, %get3A_14] : memref<1x1x768xf32, #tpu.memory_space<vmem>>, vector<1x1x768xf32>
      %get3A_16 = vector.shape_cast %get3A_15 : vector<1x1x768xf32> to vector<1x768xf32>
      %add3A = vector.broadcast %get3A_16 : vector<1x768xf32> to vector<128x768xf32>
      %add3A_17 = arith.addf %dot_general3A_11, %add3A : vector<128x768xf32>
      %mul3A = arith.constant 5.000000e-01 : f32
      %mul3A_18 = vector.broadcast %mul3A : f32 to vector<128x768xf32>
      %mul3A_19 = arith.mulf %mul3A_18, %add3A_17 : vector<128x768xf32>
      %mul3A_20 = arith.constant 0.707106769 : f32
      %mul3A_21 = vector.broadcast %mul3A_20 : f32 to vector<128x768xf32>
      %mul3A_22 = arith.mulf %add3A_17, %mul3A_21 : vector<128x768xf32>
      %erf3A = math.erf %mul3A_22 : vector<128x768xf32>
      %add3A_23 = arith.constant 1.000000e+00 : f32
      %add3A_24 = vector.broadcast %add3A_23 : f32 to vector<128x768xf32>
      %add3A_25 = arith.addf %add3A_24, %erf3A : vector<128x768xf32>
      %mul3A_26 = arith.mulf %mul3A_19, %add3A_25 : vector<128x768xf32>
      %get3A_27 = arith.constant 0 : index
      %get3A_28 = arith.constant 0 : index
      %get3A_29 = arith.constant 0 : index
      %get3A_30 = vector.load %arg6[%get3A_27, %get3A_28, %get3A_29] : memref<1x768x768xf32, #tpu.memory_space<vmem>>, vector<1x768x768xf32>
      %get3A_31 = vector.shape_cast %get3A_30 : vector<1x768x768xf32> to vector<768x768xf32>
      %dot_general3A_32 = arith.constant dense<0.000000e+00> : vector<128x768xf32>
      %dot_general3A_33 = tpu.matmul %mul3A_26, %get3A_31, %dot_general3A_32 {dimension_numbers = #tpu.dot_dimension_numbers<[1], [1], [0], [0], [0, 0, 1, 0], [], []>, transpose_lhs_hint = false} : vector<128x768xf32>, vector<768x768xf32>, vector<128x768xf32> -> vector<128x768xf32>
      %get3A_34 = arith.constant 0 : index
      %get3A_35 = arith.constant 0 : index
      %get3A_36 = arith.constant 0 : index
      %get3A_37 = vector.load %arg7[%get3A_34, %get3A_35, %get3A_36] : memref<1x1x768xf32, #tpu.memory_space<vmem>>, vector<1x1x768xf32>
      %get3A_38 = vector.shape_cast %get3A_37 : vector<1x1x768xf32> to vector<1x768xf32>
      %add3A_39 = vector.broadcast %get3A_38 : vector<1x768xf32> to vector<128x768xf32>
      %add3A_40 = arith.addf %dot_general3A_33, %add3A_39 : vector<128x768xf32>
      %add3A_41 = arith.addf %get3A_5, %add3A_40 : vector<128x768xf32>
      %reduce_sum3A = arith.constant dense<0.000000e+00> : vector<128xf32>
      %reduce_sum3A_42 = vector.multi_reduction <add>, %add3A_41, %reduce_sum3A [1] : vector<128x768xf32> to vector<128xf32>
      %broadcast_in_dim3A = vector.shape_cast %reduce_sum3A_42 : vector<128xf32> to vector<128x1xf32>
      %div3A = arith.constant 7.680000e+02 : f32
      %div3A_43 = vector.broadcast %div3A : f32 to vector<128x1xf32>
      %div3A_44 = arith.divf %broadcast_in_dim3A, %div3A_43 : vector<128x1xf32>
      %sub3A = vector.broadcast %div3A_44 : vector<128x1xf32> to vector<128x768xf32>
      %sub3A_45 = arith.subf %add3A_41, %sub3A : vector<128x768xf32>
      %integer_pow3A = arith.mulf %sub3A_45, %sub3A_45 : vector<128x768xf32>
      %reduce_sum3A_46 = arith.constant dense<0.000000e+00> : vector<128xf32>
      %reduce_sum3A_47 = vector.multi_reduction <add>, %integer_pow3A, %reduce_sum3A_46 [1] : vector<128x768xf32> to vector<128xf32>
      %broadcast_in_dim3A_48 = vector.shape_cast %reduce_sum3A_47 : vector<128xf32> to vector<128x1xf32>
      %div3A_49 = arith.constant 7.680000e+02 : f32
      %div3A_50 = vector.broadcast %div3A_49 : f32 to vector<128x1xf32>
      %div3A_51 = arith.divf %broadcast_in_dim3A_48, %div3A_50 : vector<128x1xf32>
      %sub3A_52 = vector.broadcast %div3A_44 : vector<128x1xf32> to vector<128x768xf32>
      %sub3A_53 = arith.subf %add3A_41, %sub3A_52 : vector<128x768xf32>
      %add3A_54 = arith.constant 9.99999974E-6 : f32
      %add3A_55 = vector.broadcast %add3A_54 : f32 to vector<128x1xf32>
      %add3A_56 = arith.addf %div3A_51, %add3A_55 : vector<128x1xf32>
      %sqrt3A = math.sqrt %add3A_56 : vector<128x1xf32>
      %div3A_57 = vector.broadcast %sqrt3A : vector<128x1xf32> to vector<128x768xf32>
      %div3A_58 = arith.divf %sub3A_53, %div3A_57 : vector<128x768xf32>
      %get3A_59 = arith.constant 0 : index
      %get3A_60 = arith.constant 0 : index
      %get3A_61 = vector.load %arg8[%get3A_59, %get3A_60] : memref<1x768xf32, #tpu.memory_space<vmem>>, vector<1x768xf32>
      %mul3A_62 = vector.broadcast %get3A_61 : vector<1x768xf32> to vector<128x768xf32>
      %mul3A_63 = arith.mulf %div3A_58, %mul3A_62 : vector<128x768xf32>
      %get3A_64 = arith.constant 0 : index
      %get3A_65 = arith.constant 0 : index
      %get3A_66 = vector.load %arg9[%get3A_64, %get3A_65] : memref<1x768xf32, #tpu.memory_space<vmem>>, vector<1x768xf32>
      %add3A_67 = vector.broadcast %get3A_66 : vector<1x768xf32> to vector<128x768xf32>
      %add3A_68 = arith.addf %mul3A_63, %add3A_67 : vector<128x768xf32>
      %swap3A = arith.constant 0 : index
      %swap3A_69 = arith.constant 0 : index
      %swap3A_70 = vector.load %arg10[%swap3A, %swap3A_69] : memref<128x768xf32, #tpu.memory_space<vmem>>, vector<128x768xf32>
      tpu.vector_store %arg10[%swap3A, %swap3A_69], %add3A_68 {strides = array<i32>} : memref<128x768xf32, #tpu.memory_space<vmem>>, vector<128x768xf32>,
    } else {
    }
    return
  }
  func.func @transform_0(%arg0: i32, %arg1: memref<24xi32, #tpu.memory_space<smem>>, %arg2: memref<24xi32, #tpu.memory_space<smem>>) -> (i32, i32) {
    %c0_i32 = arith.constant 0 : i32
    %c0_i32_0 = arith.constant 0 : i32
    return %arg0, %c0_i32 : i32, i32
  }
  func.func @transform_1(%arg0: i32, %arg1: memref<24xi32, #tpu.memory_space<smem>>, %arg2: memref<24xi32, #tpu.memory_space<smem>>) -> (i32, i32, i32) {
    %get3A = arith.index_cast %arg0 : i32 to index
    %get3A_0 = memref.load %arg1[%get3A] : memref<24xi32, #tpu.memory_space<smem>>
    %c0_i32 = arith.constant 0 : i32
    %c0_i32_1 = arith.constant 0 : i32
    %c0_i32_2 = arith.constant 0 : i32
    return %get3A_0, %c0_i32, %c0_i32_1 : i32, i32, i32
  }
  func.func @transform_2(%arg0: i32, %arg1: memref<24xi32, #tpu.memory_space<smem>>, %arg2: memref<24xi32, #tpu.memory_space<smem>>) -> (i32, i32, i32) {
    %get3A = arith.index_cast %arg0 : i32 to index
    %get3A_0 = memref.load %arg1[%get3A] : memref<24xi32, #tpu.memory_space<smem>>
    %c0_i32 = arith.constant 0 : i32
    %c0_i32_1 = arith.constant 0 : i32
    %c0_i32_2 = arith.constant 0 : i32
    return %get3A_0, %c0_i32, %c0_i32_1 : i32, i32, i32
  }
  func.func @transform_3(%arg0: i32, %arg1: memref<24xi32, #tpu.memory_space<smem>>, %arg2: memref<24xi32, #tpu.memory_space<smem>>) -> (i32, i32, i32) {
    %get3A = arith.index_cast %arg0 : i32 to index
    %get3A_0 = memref.load %arg1[%get3A] : memref<24xi32, #tpu.memory_space<smem>>
    %c0_i32 = arith.constant 0 : i32
    %c0_i32_1 = arith.constant 0 : i32
    %c0_i32_2 = arith.constant 0 : i32
    return %get3A_0, %c0_i32, %c0_i32_1 : i32, i32, i32
  }
  func.func @transform_4(%arg0: i32, %arg1: memref<24xi32, #tpu.memory_space<smem>>, %arg2: memref<24xi32, #tpu.memory_space<smem>>) -> (i32, i32, i32) {
    %get3A = arith.index_cast %arg0 : i32 to index
    %get3A_0 = memref.load %arg1[%get3A] : memref<24xi32, #tpu.memory_space<smem>>
    %c0_i32 = arith.constant 0 : i32
    %c0_i32_1 = arith.constant 0 : i32
    %c0_i32_2 = arith.constant 0 : i32
    return %get3A_0, %c0_i32, %c0_i32_1 : i32, i32, i32
  }
  func.func @transform_5(%arg0: i32, %arg1: memref<24xi32, #tpu.memory_space<smem>>, %arg2: memref<24xi32, #tpu.memory_space<smem>>) -> (i32, i32) {
    %c0_i32 = arith.constant 0 : i32
    %c0_i32_0 = arith.constant 0 : i32
    %c0_i32_1 = arith.constant 0 : i32
    return %c0_i32, %c0_i32_0 : i32, i32
  }
  func.func @transform_6(%arg0: i32, %arg1: memref<24xi32, #tpu.memory_space<smem>>, %arg2: memref<24xi32, #tpu.memory_space<smem>>) -> (i32, i32) {
    %c0_i32 = arith.constant 0 : i32
    %c0_i32_0 = arith.constant 0 : i32
    %c0_i32_1 = arith.constant 0 : i32
    return %c0_i32, %c0_i32_0 : i32, i32
  }
  func.func @transform_7(%arg0: i32, %arg1: memref<24xi32, #tpu.memory_space<smem>>, %arg2: memref<24xi32, #tpu.memory_space<smem>>) -> (i32, i32) {
    %c0_i32 = arith.constant 0 : i32
    %c0_i32_0 = arith.constant 0 : i32
    return %arg0, %c0_i32 : i32, i32
  }
}

</mosaic_0001>

<sc_bundles>
// kernel: kernel.6.cloned.1.call-start
scs
__scs_entry_jumppad:
0x0: {  	(pc) =	sbr.rel $0x88, $3  }
0x1: {  	(tag) =	ssettag $0x0;
	lr =	simm.s32 $0x1  }
0x2: {  	[smem:$0x3F92] =	sst lr;
	_ =	strace $0xD0000000  }
0x3: {  	_ = 	snop  }
0x4: {  	_ = 	snop  }
0x5: {  	_ = 	snop  }
0x6: {  	_ = 	snop  }
0x7: {  	_ = 	snop  }
__scs_overlays_trampoline_lowered:
0x8: {  	[smem:$0x3FA1] =	sst s0  }
0x9: {  	[smem:$0x3FA2] =	sst s1  }
0xa: {  	[smem:$0x3FA3] =	sst s2  }
0xb: {  	[smem:$0x3FA4] =	sst s3  }
0xc: {  	[smem:$0x3FA5] =	sst s4  }
0xd: {  	[smem:$0x3FA6] =	sst s5  }
0xe: {  	[smem:$0x3FA7] =	sst s6  }
0xf: {  	[smem:$0x3FA8] =	sst s7  }
0x10: {  	[smem:$0x3FA9] =	sst s8  }
0x11: {  	[smem:$0x3FAA] =	sst s9;
	s0 =	simm.s32 @!p0 $0x0  }
0x12: {  	s1 =	sld [smem:$0x3F90];
	s0 =	simm.s32 @p0 $0x1  }
0x13: {  	[smem:$0x3FAB] =	sst s0;
	s0 =	simm.s32 @!p1 $0x0  }
0x14: {  	s2 =	sld [smem:$0x3F8F];
	s0 =	simm.s32 @p1 $0x1  }
0x15: {  	[smem:$0x3FAC] =	sst s0;
	s0 =	simm.s32 @!p2 $0x0  }
0x16: {  	s3 =	sld [smem:$0x3FDB];
	s0 =	simm.s32 @p2 $0x1  }
0x17: {  	s4 =	simm.s32 $0x1BF5;
	[smem:$0x3FAE] =	sst s0  }
0x18: {  	s0 =	sld [smem:$0x3F91];
	_ =	swait.ge [sflag:s4], $0x0  }
0x19: {  	s7 =	sld [smem:$0x3F92]  }
0x1a: {  	s8 =	sadd.s32 $0xFFFFE003, lr  }
0x1b: {  	s9 =	sadd.s32 $0xFFFFFEF7, lr;
	s5 =	simm.s32 $0xFFFFFFFF;
	p2 =	slt.u32 s8, $0xFFFFF086  }
0x1c: {  	p1 =	slt.u32 s9, $0xF7A;
	s5 =	simm.s32 @!p2 $0x0  }
0x1d: {  	s5 =	simm.s32 @p1 $0x1;
	p0 =	seq.s32 s7, s2  }
0x1e: {  	s7 =	smul.u32 @!p0 $0xF7A, s2;
	p2 =	seq.s32 @!p0 s5, $0x0  }
0x1f: {  	s9 =	smul.u32 $0xF7A, s1;
	s8 =	simm.s32 @!p0 $0x1BF5;
	p2 =	por !p2, p0  }
0x20: {  	[sflag:s8] =	ssyncset.s32 @!p0 $0xFFFFF086;
	s6 =	sadd.s32 @!p0 s3, s7;
	s7 =	simm.s32 @!p0 $0x108  }
0x21: {  	s3 =	sadd.s32 s3, s9;
	s6 =	sadd.s32 @!p0 $0x88, s6;
	s7 =	simm.s32 @p2 $0x1082  }
0x22: {  	[simem:s7], [sflag:s8] =	dma.local @!p0 [hbm:s6], $0xF7A  }
0x23: {  	s9 =	sor.u32 $0xD0000000, s2;
	s6 =	simm.s32 $0x108;
	_ =	swait.ge @!p0 [sflag:s8], $0x0  }
0x24: {  	s3 =	sadd.s32 $0x88, s3;
	s6 =	simm.s32 @!p1 $0x1082;
	[sflag:s4] =	ssyncset.s32 $0xFFFFF086  }
0x25: {  	[simem:s6], [sflag:s4] =	dma.local [hbm:s3], $0xF7A  }
0x26: {  	[smem:$0x3F92] =	sst s1;
	(tag) =	ssettag s2;
	_ =	strace s9  }
0x27: {  	s1 =	sld [smem:$0x3FA2]  }
0x28: {  	s2 =	sld [smem:$0x3FA3]  }
0x29: {  	s4 =	sld [smem:$0x3FA5]  }
0x2a: {  	p0 =	seq.s32 s5, $0x0;
	s5 =	sld [smem:$0x3FA6]  }
0x2b: {  	s6 =	sld [smem:$0x3FA7]  }
0x2c: {  	s7 =	sld [smem:$0x3FA8]  }
0x2d: {  	s3 =	simm.s32 $0x108;
	s8 =	sld [smem:$0x3FA9]  }
0x2e: {  	s3 =	simm.s32 @!p0 $0x1082;
	s9 =	sld [smem:$0x3FAA]  }
0x2f: {  	lr =	sadd.s32 s0, s3;
	s0 =	sld [smem:$0x3FA1]  }
0x30: {  	s3 =	sld [smem:$0x3FA4]  }
0x31: {  	[smem:$0x3FAD] =	sst s10  }
0x32: {  	s10 =	sld [smem:$0x3FAB];
	_ =	sdelay $0x3  }
0x33: {  	p0 =	seq.s32 s10, $0x1;
	s10 =	sld [smem:$0x3FAD];
	_ =	sdelay $0x3  }
0x34: {  	[smem:$0x3FAD] =	sst s10  }
0x35: {  	s10 =	sld [smem:$0x3FAC];
	_ =	sdelay $0x3  }
0x36: {  	p1 =	seq.s32 s10, $0x1;
	s10 =	sld [smem:$0x3FAD];
	_ =	sdelay $0x3  }
0x37: {  	[smem:$0x3FAD] =	sst s10  }
0x38: {  	s10 =	sld [smem:$0x3FAE]  }
0x39: {  	_ = 	snop;
	(pc) =	sbr.ind lr, $3  }
0x3a: {  	_ = 	snop  }
0x3b: {  	_ = 	snop  }
0x3c: {  	p2 =	seq.s32 s10, $0x1;
	s10 =	sld [smem:$0x3FAD]  }
0x3d: {  	_ =	shalt  }
0x3e: {  	_ =	shalt  }
0x3f: {  	_ =	shalt  }
0x40: {  	_ =	shalt  }
0x41: {  	_ =	shalt  }
0x42: {  	_ =	shalt  }
0x43: {  	_ =	shalt  }
0x44: {  	_ =	shalt  }
0x45: {  	_ =	shalt  }
0x46: {  	_ =	shalt  }
0x47: {  	_ =	shalt  }
0x48: {  	_ =	shalt  }
0x49: {  	_ =	shalt  }
0x4a: {  	_ =	shalt  }
0x4b: {  	_ =	shalt  }
0x4c: {  	_ =	shalt  }
0x4d: {  	_ =	shalt  }
0x4e: {  	_ =	shalt  }
0x4f: {  	_ =	shalt  }
0x50: {  	_ =	shalt  }
0x51: {  	_ =	shalt  }
0x52: {  	_ =	shalt  }
0x53: {  	_ =	shalt  }
0x54: {  	_ =	shalt  }
0x55: {  	_ =	shalt  }
0x56: {  	_ =	shalt  }
0x57: {  	_ =	shalt  }
0x58: {  	_ =	shalt  }
0x59: {  	_ =	shalt  }
0x5a: {  	_ =	shalt  }
0x5b: {  	_ =	shalt  }
0x5c: {  	_ =	shalt  }
0x5d: {  	_ =	shalt  }
0x5e: {  	_ =	shalt  }
0x5f: {  	_ =	shalt  }
0x60: {  	_ =	shalt  }
0x61: {  	_ =	shalt  }
0x62: {  	_ =	shalt  }
0x63: {  	_ =	shalt  }
0x64: {  	_ =	shalt  }
0x65: {  	_ =	shalt  }
0x66: {  	_ =	shalt  }
0x67: {  	_ =	shalt  }
0x68: {  	_ =	shalt  }
0x69: {  	_ =	shalt  }
0x6a: {  	_ =	shalt  }
0x6b: {  	_ =	shalt  }
0x6c: {  	_ =	shalt  }
0x6d: {  	_ =	shalt  }
0x6e: {  	_ =	shalt  }
0x6f: {  	_ =	shalt  }
0x70: {  	_ =	shalt  }
0x71: {  	_ =	shalt  }
0x72: {  	_ =	shalt  }
0x73: {  	_ =	shalt  }
0x74: {  	_ =	shalt  }
0x75: {  	_ =	shalt  }
0x76: {  	_ =	shalt  }
0x77: {  	_ =	shalt  }
0x78: {  	_ =	shalt  }
0x79: {  	_ =	shalt  }
0x7a: {  	_ =	shalt  }
0x7b: {  	_ =	shalt  }
0x7c: {  	_ =	shalt  }
0x7d: {  	_ =	shalt  }
0x7e: {  	_ =	shalt  }
0x7f: {  	_ =	shalt  }
0x80: {  	_ =	shalt  }
0x81: {  	_ =	shalt  }
0x82: {  	_ =	shalt  }
0x83: {  	_ =	shalt  }
0x84: {  	_ =	shalt  }
0x85: {  	_ =	shalt  }
0x86: {  	_ =	shalt  }
0x87: {  	_ =	shalt  }
.Lfunc_end0:
.L_simem_size_0:
called_computation_lowered:
.L_overlay_start_0:
0x88: {  	s2 =	sld [smem:$0x3FD9]  }
0x89: {  	s3 =	sld [smem:$0x3FFE];
	_ =	sdelay $0x1  }
0x8a: {  	s1 =	srdreg.scid  }
0x8b: {  	s0 =	sand.u32 $0x1, s1  }
0x8c: {  	s17 =	sshll.u32 s0, $0xA;
	s2 =	sadd.s32 s3, s2  }
0x8d: {  	s2 =	sadd.s32 s2, s17  }
0x8e: {  	[smem:$0x3FB9] =	sst s2  }
0x8f: {  	_ = 	snop  }
0x90: {  	s2 =	sld [smem:$0x3FD0];
	(tm) =	ssettm $0x1  }
0x91: {  	s18 =	sld [smem:$0x3FFB];
	_ =	sdelay $0x3  }
0x92: {  	_ =	strace s18  }
0x93: {  	s3 =	sld [smem:$0x3FFC];
	_ =	sdelay $0x3  }
0x94: {  	_ =	strace s3  }
0x95: {  	s3 =	sld [smem:$0x3FFD];
	_ =	sdelay $0x3  }
0x96: {  	_ =	strace s3  }
0x97: {  	_ =	strace $0x8FFFFFFF  }
0x98: {  	s19 =	sld [smem:$0x3FDB];
	_ =	sdelay $0x1  }
0x99: {  	s4 =	simm.s32 $_scs_section_size  }
0x9a: {  	s5 =	simm.s32 $_size__tile_overlayer_lowered;
	s6 =	simm.s32 $_tile_overlayer_lowered  }
0x9b: {  	s22 =	simm.s32 $0x1BFF;
	s21 =	sshll.u32 s6, $0x1;
	s3 =	sadd.s32 s4, s19  }
0x9c: {  	s7 =	simm.s32 $0x0;
	s20 =	sshll.u32 s5, $0x1;
	s5 =	sadd.s32 s21, s3  }
0x9d: {  	[timem:s7], [sflag:s22] =	dma.local [hbm:s5], s20  }
0x9e: {  	_ =	swait.ge [sflag:s22], s20  }
0x9f: {  	s4 =	ssub.s32 $0x0, s20;
	[sflag:s22] =	ssyncset.done $0x0  }
0xa0: {  	[sflag:s22] =	ssyncadd.s32 s4;
	_ =	sdelay $0x1  }
0xa1: {  	s23 =	simm.s32 $0x1B8B  }
0xa2: {  	_ =	swait.ge [sflag:s23], $0x1  }
0xa3: {  	[sflag:s23] =	ssyncset.done $0x0  }
0xa4: {  	s25 =	simm.s32 $0x1B8E;
	s24 =	sld [smem:$0x3FFE];
	[sflag:s23] =	ssyncadd.s32 $0xFFFFFFFF  }
0xa5: {  	s26 =	simm.s32 $execute0_lowered;
	[smem:$0x3FD2] =	sst s25  }
0xa6: {  	s5 =	sshll.u32 s26, $0x1;
	_ =	strace $0x80000046;
	[dreg:$0x1] =	wrdreg $0xFFFFFFFF  }
0xa7: {  	s28 =	simm.s32 $_size_execute0_lowered;
	s3 =	sadd.s32 s3, s5;
	[dreg:$0x0] =	wrdreg $0x0  }
0xa8: {  	s5 =	sshll.u32 s28, $0x1;
	[dreg:$0x2] =	wrdreg s3  }
0xa9: {  	[dreg:$0x3] =	wrdreg s5  }
0xaa: {  	[dreg:$0x4] =	wrdreg $0xC0  }
0xab: {  	_ =	task [dreg:s7], $0x5FFFF  }
0xac: {  	[dreg:$0x1] =	wrdreg $0xFFFFFFFF  }
0xad: {  	[dreg:$0x0] =	wrdreg $0x60  }
0xae: {  	[dreg:$0x2] =	wrdreg s2  }
0xaf: {  	[dreg:$0x3] =	wrdreg s24  }
0xb0: {  	[dreg:$0x4] =	wrdreg $0x9  }
0xb1: {  	_ =	task.clear_ibuf [dreg:s7], $0x5FFFF;
	_ =	strace $0x90000046  }
0xb2: {  	s29 =	simm.s32 $0x9;
	_ =	strace $0x80000048  }
0xb3: {  	_ =	swait.ge [sflag:s29], $0x1  }
0xb4: {  	[sflag:s29] =	ssyncadd.s32 $0xFFFFFFFF  }
0xb5: {  	_ =	strace $0x90000048  }
0xb6: {  	_ =	sfence  }
0xb7: {  	s30 =	sld [smem:$0x0];
	_ =	sdelay $0x2  }
0xb8: {  	s31 =	sshll.u32 s1, $0xD;
	s1 =	sshrl.u32 s1, $0x2  }
0xb9: {  	s3 =	sand.u32 $0x4000, s31;
	s1 =	sadd.s32 s1, s30  }
0xba: {  	s0 =	sor.u32 s3, s0;
	s1 =	sshll.u32 s1, $0x11  }
0xbb: {  	s0 =	sor.u32 s1, s0  }
0xbc: {  	s0 =	sadd.s32 $0x8F2B, s0  }
0xbd: {  	[sflag:s0] =	ssyncadd.remote.s32 $0x1  }
0xbe: {  	_ =	sfence.sel $0xFFFF  }
0xbf: {  	[dreg:$0x0] =	wrdreg $0xFFFFFFFF;
	(pc) =	sbr.abs _section_cstart, $3  }
0xc0: {  	[dreg:$0x1] =	wrdreg $0xFFFFFFFF  }
0xc1: {  	_ =	task.clear_ibuf [dreg:s7], $0x2FFFF;
	_ =	strace $0x9FFFFFFF  }
0xc2: {  	(tm) =	ssettm $0x7FFFFFFF  }
0xc3: {  	_ =	shalt  }
tec
execute0_lowered:
.L_overlay_start_1:
0x0: {  	(tag) =	ssettag $0x1  }
0x1: {  	s1 =	srdreg.scid  }
0x2: {  	s3 =	rddreg [dreg:$0x0];
	s0 =	stileid.u32  }
0x3: {  	s5 =	rddreg [dreg:$0x1];
	s2 =	simm.s32 $0x0;
	s8 =	simm.s32 $0x80  }
0x4: {  	s26 =	simm.s32 $0x880;
	s9 =	simm.s32 $0x1080;
	s10 =	simm.s32 $0x1880  }
0x5: {  	s11 =	simm.s32 $0x2080;
	s12 =	simm.s32 $0x2880;
	s13 =	simm.s32 $0x3080  }
0x6: {  	s14 =	simm.s32 $0x3880;
	s15 =	simm.s32 $0x4080;
	s16 =	simm.s32 $0x4880  }
0x7: {  	s17 =	simm.s32 $0x5080;
	s18 =	simm.s32 $0x5880;
	s19 =	simm.s32 $0x6080  }
0x8: {  	s20 =	simm.s32 $0x6880;
	s21 =	simm.s32 $0x7080;
	s22 =	simm.s32 $0x7880  }
0x9: {  	s23 =	simm.s32 $0x8080;
	s24 =	simm.s32 $0x8880;
	s25 =	simm.s32 $0x9080  }
0xa: {  	s28 =	simm.s32 $0xA080;
	s29 =	simm.s32 $0xA880;
	s30 =	simm.s32 $0xB080  }
0xb: {  	s31 =	simm.s32 $0xB880;
	s1 =	sand.u32 $0x1, s1;
	[smem:$0x7FF] =	sst s2  }
0xc: {  	s4 =	sshll.u32 s0, $0x4;
	s6 =	sshll.u32 s1, $0x3;
	_ =	strace $0x80000047  }
0xd: {  	s1 =	ssub.s32 $0x2, s1;
	[dreg:$0x5] =	wrdreg s26;
	s4 =	sor.u32 s6, s4  }
0xe: {  	s7 =	sshrl.u32 s1, $0x1;
	s6 =	sadd.s32 s4, s5;
	s4 =	smul.u32 $0x300, s4  }
0xf: {  	s26 =	simm.s32 $0x9880;
	s1 =	ssub.s32 s1, s7;
	s6 =	sadd.s32 $0x2A00, s6  }
0x10: {  	v2 =	vlaneseq.u32;
	s7 =	simm.s32 $0x2;
	[dreg:$0x3] =	wrdreg s6;
	s4 =	sadd.s32 s3, s4  }
0x11: {  	vm0 =	vmmov $0xffff;
	v1 =	vshrl.u32 v2, $0x3;
	s3 =	sadd.s32 $0x2C00, s5;
	s6 =	smax.u32 s1, $0x1;
	s1 =	simm.s32 $0x1  }
0x12: {  	v0 =	vand.u32 $0x7, v2;
	v2 =	vor.u32 $0x8, v2;
	v1 =	vmul.u32 $0x8, v1;
	[dreg:$0x4] =	wrdreg s4;
	s4 =	sadd.s32 $0x2D00, s5;
	s5 =	sadd.s32 $0x2E00, s5  }
.LBB2_1:
0x13: {  	s0 =	rddreg [dreg:$0x3]  }
0x14: {  	[tilespmem:s2], [sflag:$0x2] =	stream.linear.gather [hbm4b:s0+s2], $0x40, $0x38;
	[tilespmem:$0xC080] =	vst v63  }
0x15: {  	_ =	swait.ge [sflag:s7], $0x40  }
0x16: {  	[sflag:s7] =	ssyncset.done $0x0  }
0x17: {  	s0 =	rddreg [dreg:$0x4];
	[sflag:s7] =	ssyncadd.s32 $0xFFFFFFC0  }
0x18: {  	[tilespmem:s8], [sflag:$0x2] =	stream.linear.gather [hbm4b:s0+s2], $0xC000, $0x38;
	[tilespmem:$0xC080] =	vst v63  }
0x19: {  	_ =	swait.ge [sflag:s7], $0xC000  }
0x1a: {  	[sflag:s7] =	ssyncset.done $0x0  }
0x1b: {  	[sflag:s7] =	ssyncadd.s32 $0xFFFF4000  }
0x1c: {  	v3 =	vld [tilespmem:$0x0];
	_ =	sdelay $0x4  }
0x1d: {  	v4 =	vshrl.u32 v3, $0x3  }
0x1e: {  	v4 =	vmul.u32 $0x30, v4  }
0x1f: {  	v3 =	vand.u32 $0x7, v3  }
0x20: {  	v3 =	vor.u32 v3, v4  }
0x21: {  	v4 =	vperm.xlane v3, v0;
	_ =	sdelay $0x1  }
0x22: {  	v4 =	vadd.s32 v1, v4;
	_ =	sdelay $0x3  }
0x23: {  	v3 =	vperm.xlane v3, v2  }
0x24: {  	[hbm4b:s3+s2] =	stream.indirect_vreg.scatter [tilespmem:s8], [sflag:$0x1], $0x80, v4, vm0, $0xb8;
	[tilespmem:$0xC080] =	vst v63  }
0x25: {  	s0 =	rddreg [dreg:$0x5];
	v3 =	vadd.s32 v1, v3  }
0x26: {  	[hbm4b:s4+s2] =	stream.indirect_vreg.scatter [tilespmem:s0], [sflag:$0x1], $0x80, v4, vm0, $0xb8;
	[tilespmem:$0xC080] =	vst v63  }
0x27: {  	_ = 	snop  }
0x28: {  	[hbm4b:s5+s2] =	stream.indirect_vreg.scatter [tilespmem:s9], [sflag:$0x1], $0x80, v4, vm0, $0xb8;
	[tilespmem:$0xC080] =	vst v63  }
0x29: {  	_ = 	snop  }
0x2a: {  	[hbm4b:s3+s2] =	stream.indirect_vreg.scatter [tilespmem:s10], [sflag:$0x1], $0x80, v3, vm0, $0xb8;
	[tilespmem:$0xC080] =	vst v63  }
0x2b: {  	_ = 	snop  }
0x2c: {  	[hbm4b:s4+s2] =	stream.indirect_vreg.scatter [tilespmem:s11], [sflag:$0x1], $0x80, v3, vm0, $0xb8;
	[tilespmem:$0xC080] =	vst v63  }
0x2d: {  	_ = 	snop  }
0x2e: {  	[hbm4b:s5+s2] =	stream.indirect_vreg.scatter [tilespmem:s12], [sflag:$0x1], $0x80, v3, vm0, $0xb8;
	[tilespmem:$0xC080] =	vst v63  }
0x2f: {  	v3 =	vld [tilespmem:$0x10];
	_ =	sdelay $0x4  }
0x30: {  	v61 =	vshrl.u32 v3, $0x3  }
0x31: {  	v4 =	vmul.u32 $0x30, v61  }
0x32: {  	v3 =	vand.u32 $0x7, v3  }
0x33: {  	v3 =	vor.u32 v3, v4  }
0x34: {  	v4 =	vperm.xlane v3, v0;
	_ =	sdelay $0x1  }
0x35: {  	v4 =	vadd.s32 v1, v4;
	_ =	sdelay $0x3  }
0x36: {  	v3 =	vperm.xlane v3, v2  }
0x37: {  	[hbm4b:s3+s2] =	stream.indirect_vreg.scatter [tilespmem:s13], [sflag:$0x1], $0x80, v4, vm0, $0xb8;
	[tilespmem:$0xC080] =	vst v63  }
0x38: {  	v3 =	vadd.s32 v1, v3  }
0x39: {  	[hbm4b:s4+s2] =	stream.indirect_vreg.scatter [tilespmem:s14], [sflag:$0x1], $0x80, v4, vm0, $0xb8;
	[tilespmem:$0xC080] =	vst v63  }
0x3a: {  	_ = 	snop  }
0x3b: {  	[hbm4b:s5+s2] =	stream.indirect_vreg.scatter [tilespmem:s15], [sflag:$0x1], $0x80, v4, vm0, $0xb8;
	[tilespmem:$0xC080] =	vst v63  }
0x3c: {  	_ = 	snop  }
0x3d: {  	[hbm4b:s3+s2] =	stream.indirect_vreg.scatter [tilespmem:s16], [sflag:$0x1], $0x80, v3, vm0, $0xb8;
	[tilespmem:$0xC080] =	vst v63  }
0x3e: {  	_ = 	snop  }
0x3f: {  	[hbm4b:s4+s2] =	stream.indirect_vreg.scatter [tilespmem:s17], [sflag:$0x1], $0x80, v3, vm0, $0xb8;
	[tilespmem:$0xC080] =	vst v63  }
0x40: {  	_ = 	snop  }
0x41: {  	[hbm4b:s5+s2] =	stream.indirect_vreg.scatter [tilespmem:s18], [sflag:$0x1], $0x80, v3, vm0, $0xb8;
	[tilespmem:$0xC080] =	vst v63  }
0x42: {  	v3 =	vld [tilespmem:$0x20];
	_ =	sdelay $0x4  }
0x43: {  	v62 =	vshrl.u32 v3, $0x3  }
0x44: {  	v4 =	vmul.u32 $0x30, v62  }
0x45: {  	v3 =	vand.u32 $0x7, v3  }
0x46: {  	v3 =	vor.u32 v3, v4  }
0x47: {  	v4 =	vperm.xlane v3, v0;
	_ =	sdelay $0x1  }
0x48: {  	v4 =	vadd.s32 v1, v4;
	_ =	sdelay $0x3  }
0x49: {  	v3 =	vperm.xlane v3, v2  }
0x4a: {  	[hbm4b:s3+s2] =	stream.indirect_vreg.scatter [tilespmem:s19], [sflag:$0x1], $0x80, v4, vm0, $0xb8;
	[tilespmem:$0xC080] =	vst v63  }
0x4b: {  	v3 =	vadd.s32 v1, v3  }
0x4c: {  	[hbm4b:s4+s2] =	stream.indirect_vreg.scatter [tilespmem:s20], [sflag:$0x1], $0x80, v4, vm0, $0xb8;
	[tilespmem:$0xC080] =	vst v63  }
0x4d: {  	_ = 	snop  }
0x4e: {  	[hbm4b:s5+s2] =	stream.indirect_vreg.scatter [tilespmem:s21], [sflag:$0x1], $0x80, v4, vm0, $0xb8;
	[tilespmem:$0xC080] =	vst v63  }
0x4f: {  	_ = 	snop  }
0x50: {  	[hbm4b:s3+s2] =	stream.indirect_vreg.scatter [tilespmem:s22], [sflag:$0x1], $0x80, v3, vm0, $0xb8;
	[tilespmem:$0xC080] =	vst v63  }
0x51: {  	_ = 	snop  }
0x52: {  	[hbm4b:s4+s2] =	stream.indirect_vreg.scatter [tilespmem:s23], [sflag:$0x1], $0x80, v3, vm0, $0xb8;
	[tilespmem:$0xC080] =	vst v63  }
0x53: {  	_ = 	snop  }
0x54: {  	[hbm4b:s5+s2] =	stream.indirect_vreg.scatter [tilespmem:s24], [sflag:$0x1], $0x80, v3, vm0, $0xb8;
	[tilespmem:$0xC080] =	vst v63  }
0x55: {  	v3 =	vld [tilespmem:$0x30];
	_ =	sdelay $0x4  }
0x56: {  	v63 =	vshrl.u32 v3, $0x3  }
0x57: {  	v4 =	vmul.u32 $0x30, v63  }
0x58: {  	v3 =	vand.u32 $0x7, v3  }
0x59: {  	v3 =	vor.u32 v3, v4  }
0x5a: {  	v4 =	vperm.xlane v3, v0;
	_ =	sdelay $0x1  }
0x5b: {  	v4 =	vadd.s32 v1, v4;
	_ =	sdelay $0x3  }
0x5c: {  	v3 =	vperm.xlane v3, v2  }
0x5d: {  	[hbm4b:s3+s2] =	stream.indirect_vreg.scatter [tilespmem:s25], [sflag:$0x1], $0x80, v4, vm0, $0xb8;
	[tilespmem:$0xC080] =	vst v63  }
0x5e: {  	v3 =	vadd.s32 v1, v3  }
0x5f: {  	[hbm4b:s4+s2] =	stream.indirect_vreg.scatter [tilespmem:s26], [sflag:$0x1], $0x80, v4, vm0, $0xb8;
	[tilespmem:$0xC080] =	vst v63  }
0x60: {  	_ = 	snop  }
0x61: {  	[hbm4b:s5+s2] =	stream.indirect_vreg.scatter [tilespmem:s28], [sflag:$0x1], $0x80, v4, vm0, $0xb8;
	[tilespmem:$0xC080] =	vst v63  }
0x62: {  	_ = 	snop  }
0x63: {  	[hbm4b:s3+s2] =	stream.indirect_vreg.scatter [tilespmem:s29], [sflag:$0x1], $0x80, v3, vm0, $0xb8;
	[tilespmem:$0xC080] =	vst v63  }
0x64: {  	p0 =	sne.s32 s6, $0x1  }
0x65: {  	[hbm4b:s4+s2] =	stream.indirect_vreg.scatter [tilespmem:s30], [sflag:$0x1], $0x80, v3, vm0, $0xb8;
	[tilespmem:$0xC080] =	vst v63  }
.Ltmp0:
0x66: {  	_ = 	snop;
	(pc) =	sbr.rel @p0 .LBB2_1-.Ltmp0, $4  }
0x67: {  	[hbm4b:s5+s2] =	stream.indirect_vreg.scatter [tilespmem:s31], [sflag:$0x1], $0x80, v3, vm0, $0xb8;
	[tilespmem:$0xC080] =	vst v63  }
0x68: {  	_ =	swait.ge [sflag:s1], $0xC000  }
0x69: {  	[sflag:s1] =	ssyncset.done $0x0  }
0x6a: {  	s6 =	sadd.s32 $0xFFFFFFFF, s6;
	[sflag:s1] =	ssyncadd.s32 $0xFFFF4000  }
0x6b: {  	_ =	sfence.sel $0x180000  }
0x6c: {  	[bflag:$0x0] =	sbarrier.arrive $0xFFFF  }
0x6d: {  	_ =	strace $0x90000047  }
0x6e: {  	s0 =	stileid.u32;
	[bflag:$0x2] =	sbarrier.arrive $0xFFFF  }
0x6f: {  	p0 =	sne.s32 s0, $0x0;
	s0 =	rddreg [dreg:$0x2]  }
0x70: {  	s0 =	sadd.s32 @!p0 $0x100000, s0  }
0x71: {  	[sflag:s0] =	ssyncadd.tile.s32 @!p0 $0x1;
	_ =	shalt  }
.Lfunc_end2:
_tile_overlayer_lowered:
.L_overlay_start_2:
0x72: {  	(tag) =	ssettag $0x2  }
0x73: {  	s0 =	rddreg [dreg:$0x0];
	s2 =	stileid.u32  }
0x74: {  	s1 =	rddreg [dreg:$0x1];
	p0 =	sne.s32 s2, $0x0  }
0x75: {  	s3 =	rddreg [dreg:$0x2];
	[bflag:$0x3] =	sbarrier.arrive $0xFFFF;
	s2 =	simm.s32 @!p0 $0x1C02  }
0x76: {  	[timem:s3], [sflag:s2] =	dma.local @!p0 [hbm:s0], s1  }
0x77: {  	s0 =	simm.s32 @!p0 $0x2  }
0x78: {  	_ =	swait.ge @!p0 [sflag:s0], s1  }
0x79: {  	s1 =	ssub.s32 @!p0 $0x0, s1;
	[sflag:s0] =	ssyncset.done @!p0 $0x0  }
0x7a: {  	[sflag:s0] =	ssyncadd.s32 @!p0 s1  }
0x7b: {  	[bflag:$0x3] =	sbarrier.arrive $0xFFFF  }
0x7c: {  	_ =	shalt  }

// kernel: kernel.9.cloned.1.call-start
scs
__scs_entry_jumppad:
0x0: {  	(pc) =	sbr.rel $0x88, $3  }
0x1: {  	(tag) =	ssettag $0x0;
	lr =	simm.s32 $0x1  }
0x2: {  	[smem:$0x3F92] =	sst lr;
	_ =	strace $0xD0000000  }
0x3: {  	_ = 	snop  }
0x4: {  	_ = 	snop  }
0x5: {  	_ = 	snop  }
0x6: {  	_ = 	snop  }
0x7: {  	_ = 	snop  }
__scs_overlays_trampoline_lowered:
0x8: {  	[smem:$0x3FA1] =	sst s0  }
0x9: {  	[smem:$0x3FA2] =	sst s1  }
0xa: {  	[smem:$0x3FA3] =	sst s2  }
0xb: {  	[smem:$0x3FA4] =	sst s3  }
0xc: {  	[smem:$0x3FA5] =	sst s4  }
0xd: {  	[smem:$0x3FA6] =	sst s5  }
0xe: {  	[smem:$0x3FA7] =	sst s6  }
0xf: {  	[smem:$0x3FA8] =	sst s7  }
0x10: {  	[smem:$0x3FA9] =	sst s8  }
0x11: {  	[smem:$0x3FAA] =	sst s9;
	s0 =	simm.s32 @!p0 $0x0  }
0x12: {  	s1 =	sld [smem:$0x3F90];
	s0 =	simm.s32 @p0 $0x1  }
0x13: {  	[smem:$0x3FAB] =	sst s0;
	s0 =	simm.s32 @!p1 $0x0  }
0x14: {  	s2 =	sld [smem:$0x3F8F];
	s0 =	simm.s32 @p1 $0x1  }
0x15: {  	[smem:$0x3FAC] =	sst s0;
	s0 =	simm.s32 @!p2 $0x0  }
0x16: {  	s3 =	sld [smem:$0x3FDB];
	s0 =	simm.s32 @p2 $0x1  }
0x17: {  	s4 =	simm.s32 $0x1BF5;
	[smem:$0x3FAE] =	sst s0  }
0x18: {  	s0 =	sld [smem:$0x3F91];
	_ =	swait.ge [sflag:s4], $0x0  }
0x19: {  	s7 =	sld [smem:$0x3F92]  }
0x1a: {  	s8 =	sadd.s32 $0xFFFFE003, lr  }
0x1b: {  	s9 =	sadd.s32 $0xFFFFFEF7, lr;
	s5 =	simm.s32 $0xFFFFFFFF;
	p2 =	slt.u32 s8, $0xFFFFF086  }
0x1c: {  	p1 =	slt.u32 s9, $0xF7A;
	s5 =	simm.s32 @!p2 $0x0  }
0x1d: {  	s5 =	simm.s32 @p1 $0x1;
	p0 =	seq.s32 s7, s2  }
0x1e: {  	s7 =	smul.u32 @!p0 $0xF7A, s2;
	p2 =	seq.s32 @!p0 s5, $0x0  }
0x1f: {  	s9 =	smul.u32 $0xF7A, s1;
	s8 =	simm.s32 @!p0 $0x1BF5;
	p2 =	por !p2, p0  }
0x20: {  	[sflag:s8] =	ssyncset.s32 @!p0 $0xFFFFF086;
	s6 =	sadd.s32 @!p0 s3, s7;
	s7 =	simm.s32 @!p0 $0x108  }
0x21: {  	s3 =	sadd.s32 s3, s9;
	s6 =	sadd.s32 @!p0 $0x88, s6;
	s7 =	simm.s32 @p2 $0x1082  }
0x22: {  	[simem:s7], [sflag:s8] =	dma.local @!p0 [hbm:s6], $0xF7A  }
0x23: {  	s9 =	sor.u32 $0xD0000000, s2;
	s6 =	simm.s32 $0x108;
	_ =	swait.ge @!p0 [sflag:s8], $0x0  }
0x24: {  	s3 =	sadd.s32 $0x88, s3;
	s6 =	simm.s32 @!p1 $0x1082;
	[sflag:s4] =	ssyncset.s32 $0xFFFFF086  }
0x25: {  	[simem:s6], [sflag:s4] =	dma.local [hbm:s3], $0xF7A  }
0x26: {  	[smem:$0x3F92] =	sst s1;
	(tag) =	ssettag s2;
	_ =	strace s9  }
0x27: {  	s1 =	sld [smem:$0x3FA2]  }
0x28: {  	s2 =	sld [smem:$0x3FA3]  }
0x29: {  	s4 =	sld [smem:$0x3FA5]  }
0x2a: {  	p0 =	seq.s32 s5, $0x0;
	s5 =	sld [smem:$0x3FA6]  }
0x2b: {  	s6 =	sld [smem:$0x3FA7]  }
0x2c: {  	s7 =	sld [smem:$0x3FA8]  }
0x2d: {  	s3 =	simm.s32 $0x108;
	s8 =	sld [smem:$0x3FA9]  }
0x2e: {  	s3 =	simm.s32 @!p0 $0x1082;
	s9 =	sld [smem:$0x3FAA]  }
0x2f: {  	lr =	sadd.s32 s0, s3;
	s0 =	sld [smem:$0x3FA1]  }
0x30: {  	s3 =	sld [smem:$0x3FA4]  }
0x31: {  	[smem:$0x3FAD] =	sst s10  }
0x32: {  	s10 =	sld [smem:$0x3FAB];
	_ =	sdelay $0x3  }
0x33: {  	p0 =	seq.s32 s10, $0x1;
	s10 =	sld [smem:$0x3FAD];
	_ =	sdelay $0x3  }
0x34: {  	[smem:$0x3FAD] =	sst s10  }
0x35: {  	s10 =	sld [smem:$0x3FAC];
	_ =	sdelay $0x3  }
0x36: {  	p1 =	seq.s32 s10, $0x1;
	s10 =	sld [smem:$0x3FAD];
	_ =	sdelay $0x3  }
0x37: {  	[smem:$0x3FAD] =	sst s10  }
0x38: {  	s10 =	sld [smem:$0x3FAE]  }
0x39: {  	_ = 	snop;
	(pc) =	sbr.ind lr, $3  }
0x3a: {  	_ = 	snop  }
0x3b: {  	_ = 	snop  }
0x3c: {  	p2 =	seq.s32 s10, $0x1;
	s10 =	sld [smem:$0x3FAD]  }
0x3d: {  	_ =	shalt  }
0x3e: {  	_ =	shalt  }
0x3f: {  	_ =	shalt  }
0x40: {  	_ =	shalt  }
0x41: {  	_ =	shalt  }
0x42: {  	_ =	shalt  }
0x43: {  	_ =	shalt  }
0x44: {  	_ =	shalt  }
0x45: {  	_ =	shalt  }
0x46: {  	_ =	shalt  }
0x47: {  	_ =	shalt  }
0x48: {  	_ =	shalt  }
0x49: {  	_ =	shalt  }
0x4a: {  	_ =	shalt  }
0x4b: {  	_ =	shalt  }
0x4c: {  	_ =	shalt  }
0x4d: {  	_ =	shalt  }
0x4e: {  	_ =	shalt  }
0x4f: {  	_ =	shalt  }
0x50: {  	_ =	shalt  }
0x51: {  	_ =	shalt  }
0x52: {  	_ =	shalt  }
0x53: {  	_ =	shalt  }
0x54: {  	_ =	shalt  }
0x55: {  	_ =	shalt  }
0x56: {  	_ =	shalt  }
0x57: {  	_ =	shalt  }
0x58: {  	_ =	shalt  }
0x59: {  	_ =	shalt  }
0x5a: {  	_ =	shalt  }
0x5b: {  	_ =	shalt  }
0x5c: {  	_ =	shalt  }
0x5d: {  	_ =	shalt  }
0x5e: {  	_ =	shalt  }
0x5f: {  	_ =	shalt  }
0x60: {  	_ =	shalt  }
0x61: {  	_ =	shalt  }
0x62: {  	_ =	shalt  }
0x63: {  	_ =	shalt  }
0x64: {  	_ =	shalt  }
0x65: {  	_ =	shalt  }
0x66: {  	_ =	shalt  }
0x67: {  	_ =	shalt  }
0x68: {  	_ =	shalt  }
0x69: {  	_ =	shalt  }
0x6a: {  	_ =	shalt  }
0x6b: {  	_ =	shalt  }
0x6c: {  	_ =	shalt  }
0x6d: {  	_ =	shalt  }
0x6e: {  	_ =	shalt  }
0x6f: {  	_ =	shalt  }
0x70: {  	_ =	shalt  }
0x71: {  	_ =	shalt  }
0x72: {  	_ =	shalt  }
0x73: {  	_ =	shalt  }
0x74: {  	_ =	shalt  }
0x75: {  	_ =	shalt  }
0x76: {  	_ =	shalt  }
0x77: {  	_ =	shalt  }
0x78: {  	_ =	shalt  }
0x79: {  	_ =	shalt  }
0x7a: {  	_ =	shalt  }
0x7b: {  	_ =	shalt  }
0x7c: {  	_ =	shalt  }
0x7d: {  	_ =	shalt  }
0x7e: {  	_ =	shalt  }
0x7f: {  	_ =	shalt  }
0x80: {  	_ =	shalt  }
0x81: {  	_ =	shalt  }
0x82: {  	_ =	shalt  }
0x83: {  	_ =	shalt  }
0x84: {  	_ =	shalt  }
0x85: {  	_ =	shalt  }
0x86: {  	_ =	shalt  }
0x87: {  	_ =	shalt  }
.Lfunc_end0:
.L_simem_size_0:
called_computation.1_lowered:
.L_overlay_start_0:
0x88: {  	s2 =	sld [smem:$0x3FD9]  }
0x89: {  	s3 =	sld [smem:$0x3FFE];
	_ =	sdelay $0x1  }
0x8a: {  	s1 =	srdreg.scid  }
0x8b: {  	s0 =	sand.u32 $0x1, s1  }
0x8c: {  	s16 =	sshll.u32 s0, $0xA;
	s2 =	sadd.s32 s3, s2  }
0x8d: {  	s2 =	sadd.s32 s2, s16  }
0x8e: {  	[smem:$0x3FB9] =	sst s2  }
0x8f: {  	_ = 	snop  }
0x90: {  	(tm) =	ssettm $0x1  }
0x91: {  	s17 =	sld [smem:$0x3FFB];
	_ =	sdelay $0x3  }
0x92: {  	_ =	strace s17  }
0x93: {  	s2 =	sld [smem:$0x3FFC];
	_ =	sdelay $0x3  }
0x94: {  	_ =	strace s2  }
0x95: {  	s2 =	sld [smem:$0x3FFD];
	_ =	sdelay $0x3  }
0x96: {  	_ =	strace s2  }
0x97: {  	_ =	strace $0x8FFFFFFF  }
0x98: {  	s18 =	sld [smem:$0x3FDB];
	_ =	sdelay $0x1  }
0x99: {  	s19 =	simm.s32 $_scs_section_size  }
0x9a: {  	s4 =	simm.s32 $_size__tile_overlayer_lowered;
	s5 =	simm.s32 $_tile_overlayer_lowered  }
0x9b: {  	s22 =	simm.s32 $0x1BFF;
	s21 =	sshll.u32 s5, $0x1;
	s2 =	sadd.s32 s19, s18  }
0x9c: {  	s6 =	simm.s32 $0x0;
	s20 =	sshll.u32 s4, $0x1;
	s4 =	sadd.s32 s21, s2  }
0x9d: {  	[timem:s6], [sflag:s22] =	dma.local [hbm:s4], s20  }
0x9e: {  	_ =	swait.ge [sflag:s22], s20  }
0x9f: {  	s3 =	ssub.s32 $0x0, s20;
	[sflag:s22] =	ssyncset.done $0x0  }
0xa0: {  	[sflag:s22] =	ssyncadd.s32 s3;
	_ =	sdelay $0x1  }
0xa1: {  	s23 =	simm.s32 $0x1B8B  }
0xa2: {  	_ =	swait.ge [sflag:s23], $0x1  }
0xa3: {  	[sflag:s23] =	ssyncset.done $0x0  }
0xa4: {  	s25 =	simm.s32 $0x1B8E;
	s24 =	sld [smem:$0x3FFE];
	[sflag:s23] =	ssyncadd.s32 $0xFFFFFFFF  }
0xa5: {  	s26 =	simm.s32 $execute0_lowered;
	[smem:$0x3FD2] =	sst s25  }
0xa6: {  	s4 =	sshll.u32 s26, $0x1;
	_ =	strace $0x80000049;
	[dreg:$0x1] =	wrdreg $0xFFFFFFFF  }
0xa7: {  	s28 =	simm.s32 $_size_execute0_lowered;
	s2 =	sadd.s32 s2, s4;
	[dreg:$0x0] =	wrdreg $0x0  }
0xa8: {  	s4 =	sshll.u32 s28, $0x1;
	[dreg:$0x2] =	wrdreg s2  }
0xa9: {  	[dreg:$0x3] =	wrdreg s4  }
0xaa: {  	[dreg:$0x4] =	wrdreg $0xC0  }
0xab: {  	_ =	task [dreg:s6], $0x5FFFF  }
0xac: {  	[dreg:$0x1] =	wrdreg $0xFFFFFFFF  }
0xad: {  	[dreg:$0x0] =	wrdreg $0x60  }
0xae: {  	[dreg:$0x2] =	wrdreg s24  }
0xaf: {  	[dreg:$0x3] =	wrdreg $0x9  }
0xb0: {  	_ =	task.clear_ibuf [dreg:s6], $0x4FFFF;
	_ =	strace $0x90000049  }
0xb1: {  	s29 =	simm.s32 $0x9;
	_ =	strace $0x8000004B  }
0xb2: {  	_ =	swait.ge [sflag:s29], $0x1  }
0xb3: {  	[sflag:s29] =	ssyncadd.s32 $0xFFFFFFFF  }
0xb4: {  	_ =	strace $0x9000004B  }
0xb5: {  	_ =	sfence  }
0xb6: {  	s30 =	sld [smem:$0x0];
	_ =	sdelay $0x2  }
0xb7: {  	s31 =	sshll.u32 s1, $0xD;
	s1 =	sshrl.u32 s1, $0x2  }
0xb8: {  	s3 =	sand.u32 $0x4000, s31;
	s1 =	sadd.s32 s1, s30  }
0xb9: {  	s0 =	sor.u32 s3, s0;
	s1 =	sshll.u32 s1, $0x11  }
0xba: {  	s0 =	sor.u32 s1, s0  }
0xbb: {  	s0 =	sadd.s32 $0x8F2B, s0  }
0xbc: {  	[sflag:s0] =	ssyncadd.remote.s32 $0x1  }
0xbd: {  	_ =	sfence.sel $0xFFFF  }
0xbe: {  	[dreg:$0x0] =	wrdreg $0xFFFFFFFF;
	(pc) =	sbr.abs _section_cstart, $3  }
0xbf: {  	[dreg:$0x1] =	wrdreg $0xFFFFFFFF  }
0xc0: {  	_ =	task.clear_ibuf [dreg:s6], $0x2FFFF;
	_ =	strace $0x9FFFFFFF  }
0xc1: {  	(tm) =	ssettm $0x7FFFFFFF  }
tec
execute0_lowered:
.L_overlay_start_1:
0x0: {  	(tag) =	ssettag $0x1  }
0x1: {  	s0 =	rddreg [dreg:$0x0]  }
0x2: {  	s2 =	srdreg.scid;
	s1 =	stileid.u32  }
0x3: {  	s8 =	simm.s32 $0x80;
	s26 =	simm.s32 $0x880;
	s9 =	simm.s32 $0x1080  }
0x4: {  	s10 =	simm.s32 $0x1880;
	s11 =	simm.s32 $0x2080;
	s12 =	simm.s32 $0x2880  }
0x5: {  	s13 =	simm.s32 $0x3080;
	s14 =	simm.s32 $0x3880;
	s15 =	simm.s32 $0x4080  }
0x6: {  	s16 =	simm.s32 $0x4880;
	s17 =	simm.s32 $0x5080;
	s18 =	simm.s32 $0x5880  }
0x7: {  	s19 =	simm.s32 $0x6080;
	s20 =	simm.s32 $0x6880;
	s21 =	simm.s32 $0x7080  }
0x8: {  	s22 =	simm.s32 $0x7880;
	s23 =	simm.s32 $0x8080;
	s24 =	simm.s32 $0x8880  }
0x9: {  	s28 =	simm.s32 $0xA080;
	s29 =	simm.s32 $0xA880;
	s30 =	simm.s32 $0xB080  }
0xa: {  	s31 =	simm.s32 $0xB880;
	s3 =	sand.u32 $0x1, s2;
	s2 =	simm.s32 $0x0  }
0xb: {  	s4 =	sshll.u32 s1, $0x4;
	s5 =	sshll.u32 s3, $0x3;
	[smem:$0x7FF] =	sst s2  }
0xc: {  	s6 =	ssub.s32 $0x2, s3;
	s3 =	sadd.s32 $0x2C00, s0;
	s4 =	sor.u32 s5, s4  }
0xd: {  	_ =	strace $0x8000004A;
	s7 =	sshrl.u32 s6, $0x1;
	[dreg:$0x4] =	wrdreg s26  }
0xe: {  	s26 =	simm.s32 $0x9880;
	s5 =	smul.u32 $0x300, s4;
	s4 =	sadd.s32 s4, s0  }
0xf: {  	s6 =	ssub.s32 s6, s7;
	s7 =	simm.s32 $0x2;
	s4 =	sadd.s32 $0x2A00, s4  }
0x10: {  	v2 =	vlaneseq.u32;
	s6 =	smax.u32 s6, $0x1;
	s5 =	sadd.s32 s5, s0;
	[dreg:$0x2] =	wrdreg s4  }
0x11: {  	vm0 =	vmmov $0xffff;
	v1 =	vshrl.u32 v2, $0x3;
	s4 =	sadd.s32 $0x2D00, s0;
	s25 =	sadd.s32 $0x4AC00, s5;
	s5 =	sadd.s32 $0x2E00, s0  }
0x12: {  	v0 =	vand.u32 $0x7, v2;
	v2 =	vor.u32 $0x8, v2;
	v1 =	vmul.u32 $0x8, v1;
	s0 =	simm.s32 $0x1;
	[dreg:$0x3] =	wrdreg s25;
	s25 =	simm.s32 $0x9080  }
.LBB2_1:
0x13: {  	s1 =	rddreg [dreg:$0x2]  }
0x14: {  	[tilespmem:s2], [sflag:$0x2] =	stream.linear.gather [hbm4b:s1+s2], $0x40, $0x38;
	[tilespmem:$0xC080] =	vst v63  }
0x15: {  	_ =	swait.ge [sflag:s7], $0x40  }
0x16: {  	[sflag:s7] =	ssyncset.done $0x0  }
0x17: {  	[sflag:s7] =	ssyncadd.s32 $0xFFFFFFC0  }
0x18: {  	v3 =	vld [tilespmem:$0x0];
	_ =	sdelay $0x4  }
0x19: {  	v4 =	vshrl.u32 v3, $0x3  }
0x1a: {  	v4 =	vmul.u32 $0x30, v4  }
0x1b: {  	v3 =	vand.u32 $0x7, v3  }
0x1c: {  	v3 =	vor.u32 v3, v4  }
0x1d: {  	v4 =	vperm.xlane v3, v0;
	_ =	sdelay $0x1  }
0x1e: {  	v4 =	vadd.s32 v1, v4;
	_ =	sdelay $0x3  }
0x1f: {  	v3 =	vperm.xlane v3, v2  }
0x20: {  	[tilespmem:s8], [sflag:$0x1] =	stream.indirect_vreg.gather [hbm4b:s3+s2], $0x80, v4, vm0, $0xb8;
	[tilespmem:$0xC080] =	vst v63  }
0x21: {  	s1 =	rddreg [dreg:$0x4];
	v3 =	vadd.s32 v1, v3  }
0x22: {  	[tilespmem:s1], [sflag:$0x1] =	stream.indirect_vreg.gather [hbm4b:s4+s2], $0x80, v4, vm0, $0xb8;
	[tilespmem:$0xC080] =	vst v63  }
0x23: {  	_ = 	snop  }
0x24: {  	[tilespmem:s9], [sflag:$0x1] =	stream.indirect_vreg.gather [hbm4b:s5+s2], $0x80, v4, vm0, $0xb8;
	[tilespmem:$0xC080] =	vst v63  }
0x25: {  	_ = 	snop  }
0x26: {  	[tilespmem:s10], [sflag:$0x1] =	stream.indirect_vreg.gather [hbm4b:s3+s2], $0x80, v3, vm0, $0xb8;
	[tilespmem:$0xC080] =	vst v63  }
0x27: {  	_ = 	snop  }
0x28: {  	[tilespmem:s11], [sflag:$0x1] =	stream.indirect_vreg.gather [hbm4b:s4+s2], $0x80, v3, vm0, $0xb8;
	[tilespmem:$0xC080] =	vst v63  }
0x29: {  	_ = 	snop  }
0x2a: {  	[tilespmem:s12], [sflag:$0x1] =	stream.indirect_vreg.gather [hbm4b:s5+s2], $0x80, v3, vm0, $0xb8;
	[tilespmem:$0xC080] =	vst v63  }
0x2b: {  	v3 =	vld [tilespmem:$0x10];
	_ =	sdelay $0x4  }
0x2c: {  	v61 =	vshrl.u32 v3, $0x3  }
0x2d: {  	v4 =	vmul.u32 $0x30, v61  }
0x2e: {  	v3 =	vand.u32 $0x7, v3  }
0x2f: {  	v3 =	vor.u32 v3, v4  }
0x30: {  	v4 =	vperm.xlane v3, v0;
	_ =	sdelay $0x1  }
0x31: {  	v4 =	vadd.s32 v1, v4;
	_ =	sdelay $0x3  }
0x32: {  	v3 =	vperm.xlane v3, v2  }
0x33: {  	[tilespmem:s13], [sflag:$0x1] =	stream.indirect_vreg.gather [hbm4b:s3+s2], $0x80, v4, vm0, $0xb8;
	[tilespmem:$0xC080] =	vst v63  }
0x34: {  	v3 =	vadd.s32 v1, v3  }
0x35: {  	[tilespmem:s14], [sflag:$0x1] =	stream.indirect_vreg.gather [hbm4b:s4+s2], $0x80, v4, vm0, $0xb8;
	[tilespmem:$0xC080] =	vst v63  }
0x36: {  	_ = 	snop  }
0x37: {  	[tilespmem:s15], [sflag:$0x1] =	stream.indirect_vreg.gather [hbm4b:s5+s2], $0x80, v4, vm0, $0xb8;
	[tilespmem:$0xC080] =	vst v63  }
0x38: {  	_ = 	snop  }
0x39: {  	[tilespmem:s16], [sflag:$0x1] =	stream.indirect_vreg.gather [hbm4b:s3+s2], $0x80, v3, vm0, $0xb8;
	[tilespmem:$0xC080] =	vst v63  }
0x3a: {  	_ = 	snop  }
0x3b: {  	[tilespmem:s17], [sflag:$0x1] =	stream.indirect_vreg.gather [hbm4b:s4+s2], $0x80, v3, vm0, $0xb8;
	[tilespmem:$0xC080] =	vst v63  }
0x3c: {  	_ = 	snop  }
0x3d: {  	[tilespmem:s18], [sflag:$0x1] =	stream.indirect_vreg.gather [hbm4b:s5+s2], $0x80, v3, vm0, $0xb8;
	[tilespmem:$0xC080] =	vst v63  }
0x3e: {  	v3 =	vld [tilespmem:$0x20];
	_ =	sdelay $0x4  }
0x3f: {  	v62 =	vshrl.u32 v3, $0x3  }
0x40: {  	v4 =	vmul.u32 $0x30, v62  }
0x41: {  	v3 =	vand.u32 $0x7, v3  }
0x42: {  	v3 =	vor.u32 v3, v4  }
0x43: {  	v4 =	vperm.xlane v3, v0;
	_ =	sdelay $0x1  }
0x44: {  	v4 =	vadd.s32 v1, v4;
	_ =	sdelay $0x3  }
0x45: {  	v3 =	vperm.xlane v3, v2  }
0x46: {  	[tilespmem:s19], [sflag:$0x1] =	stream.indirect_vreg.gather [hbm4b:s3+s2], $0x80, v4, vm0, $0xb8;
	[tilespmem:$0xC080] =	vst v63  }
0x47: {  	v3 =	vadd.s32 v1, v3  }
0x48: {  	[tilespmem:s20], [sflag:$0x1] =	stream.indirect_vreg.gather [hbm4b:s4+s2], $0x80, v4, vm0, $0xb8;
	[tilespmem:$0xC080] =	vst v63  }
0x49: {  	_ = 	snop  }
0x4a: {  	[tilespmem:s21], [sflag:$0x1] =	stream.indirect_vreg.gather [hbm4b:s5+s2], $0x80, v4, vm0, $0xb8;
	[tilespmem:$0xC080] =	vst v63  }
0x4b: {  	_ = 	snop  }
0x4c: {  	[tilespmem:s22], [sflag:$0x1] =	stream.indirect_vreg.gather [hbm4b:s3+s2], $0x80, v3, vm0, $0xb8;
	[tilespmem:$0xC080] =	vst v63  }
0x4d: {  	_ = 	snop  }
0x4e: {  	[tilespmem:s23], [sflag:$0x1] =	stream.indirect_vreg.gather [hbm4b:s4+s2], $0x80, v3, vm0, $0xb8;
	[tilespmem:$0xC080] =	vst v63  }
0x4f: {  	_ = 	snop  }
0x50: {  	[tilespmem:s24], [sflag:$0x1] =	stream.indirect_vreg.gather [hbm4b:s5+s2], $0x80, v3, vm0, $0xb8;
	[tilespmem:$0xC080] =	vst v63  }
0x51: {  	v3 =	vld [tilespmem:$0x30];
	_ =	sdelay $0x4  }
0x52: {  	v63 =	vshrl.u32 v3, $0x3  }
0x53: {  	v4 =	vmul.u32 $0x30, v63  }
0x54: {  	v3 =	vand.u32 $0x7, v3  }
0x55: {  	v3 =	vor.u32 v3, v4  }
0x56: {  	v4 =	vperm.xlane v3, v0;
	_ =	sdelay $0x1  }
0x57: {  	v4 =	vadd.s32 v1, v4;
	_ =	sdelay $0x3  }
0x58: {  	v3 =	vperm.xlane v3, v2  }
0x59: {  	[tilespmem:s25], [sflag:$0x1] =	stream.indirect_vreg.gather [hbm4b:s3+s2], $0x80, v4, vm0, $0xb8;
	[tilespmem:$0xC080] =	vst v63  }
0x5a: {  	v3 =	vadd.s32 v1, v3  }
0x5b: {  	[tilespmem:s26], [sflag:$0x1] =	stream.indirect_vreg.gather [hbm4b:s4+s2], $0x80, v4, vm0, $0xb8;
	[tilespmem:$0xC080] =	vst v63  }
0x5c: {  	_ = 	snop  }
0x5d: {  	[tilespmem:s28], [sflag:$0x1] =	stream.indirect_vreg.gather [hbm4b:s5+s2], $0x80, v4, vm0, $0xb8;
	[tilespmem:$0xC080] =	vst v63  }
0x5e: {  	_ = 	snop  }
0x5f: {  	[tilespmem:s29], [sflag:$0x1] =	stream.indirect_vreg.gather [hbm4b:s3+s2], $0x80, v3, vm0, $0xb8;
	[tilespmem:$0xC080] =	vst v63  }
0x60: {  	_ = 	snop  }
0x61: {  	[tilespmem:s30], [sflag:$0x1] =	stream.indirect_vreg.gather [hbm4b:s4+s2], $0x80, v3, vm0, $0xb8;
	[tilespmem:$0xC080] =	vst v63  }
0x62: {  	_ = 	snop  }
0x63: {  	[tilespmem:s31], [sflag:$0x1] =	stream.indirect_vreg.gather [hbm4b:s5+s2], $0x80, v3, vm0, $0xb8;
	[tilespmem:$0xC080] =	vst v63  }
0x64: {  	_ =	swait.ge [sflag:s0], $0xC000  }
0x65: {  	p0 =	sne.s32 s6, $0x1;
	[sflag:s0] =	ssyncset.done $0x0  }
.Ltmp0:
0x66: {  	s1 =	rddreg [dreg:$0x3];
	[sflag:s0] =	ssyncadd.s32 $0xFFFF4000;
	(pc) =	sbr.rel @p0 .LBB2_1-.Ltmp0, $4  }
0x67: {  	[hbm4b:s1+s2] =	stream.linear.scatter [tilespmem:s8], [sflag:$0x2], $0xC000, $0x38;
	[tilespmem:$0xC080] =	vst v63  }
0x68: {  	_ =	swait.ge [sflag:s7], $0xC000  }
0x69: {  	[sflag:s7] =	ssyncset.done $0x0  }
0x6a: {  	s6 =	sadd.s32 $0xFFFFFFFF, s6;
	[sflag:s7] =	ssyncadd.s32 $0xFFFF4000  }
0x6b: {  	_ =	sfence.sel $0x180000  }
0x6c: {  	[bflag:$0x0] =	sbarrier.arrive $0xFFFF  }
0x6d: {  	_ =	strace $0x9000004A  }
0x6e: {  	s0 =	stileid.u32;
	[bflag:$0x2] =	sbarrier.arrive $0xFFFF  }
0x6f: {  	p0 =	sne.s32 s0, $0x0;
	s0 =	rddreg [dreg:$0x1]  }
0x70: {  	s0 =	sadd.s32 @!p0 $0x100000, s0  }
0x71: {  	[sflag:s0] =	ssyncadd.tile.s32 @!p0 $0x1;
	_ =	shalt  }
.Lfunc_end2:
_tile_overlayer_lowered:
.L_overlay_start_2:
0x72: {  	(tag) =	ssettag $0x2  }
0x73: {  	s0 =	rddreg [dreg:$0x0];
	s2 =	stileid.u32  }
0x74: {  	s1 =	rddreg [dreg:$0x1];
	p0 =	sne.s32 s2, $0x0  }
0x75: {  	s3 =	rddreg [dreg:$0x2];
	[bflag:$0x3] =	sbarrier.arrive $0xFFFF;
	s2 =	simm.s32 @!p0 $0x1C02  }
0x76: {  	[timem:s3], [sflag:s2] =	dma.local @!p0 [hbm:s0], s1  }
0x77: {  	s0 =	simm.s32 @!p0 $0x2  }
0x78: {  	_ =	swait.ge @!p0 [sflag:s0], s1  }
0x79: {  	s1 =	ssub.s32 @!p0 $0x0, s1;
	[sflag:s0] =	ssyncset.done @!p0 $0x0  }
0x7a: {  	[sflag:s0] =	ssyncadd.s32 @!p0 s1  }
0x7b: {  	[bflag:$0x3] =	sbarrier.arrive $0xFFFF  }
0x7c: {  	_ =	shalt  }

</sc_bundles>
